<compile_context>
chip_gen: v7x
topology: tpu7x:2x2x1
jax: 0.10.2.dev20260603
libtpu: 0.0.44.dev20260713+nightly
codegen_flags: <defaults>
</compile_context>

<pallas_src>
import functools
import math

import jax
import jax.numpy as jnp
from jax import lax
from jax.experimental import pallas as pl
from jax.experimental.pallas import tpu as pltpu
from jax.experimental.pallas import tpu_sc as plsc

_B, _L, _D, _V = 4096, 200, 64, 1000000
_NC, _NS = 2, 16
_NW = _NC * _NS
_SEQ_W = _B // _NW
_ROWS_W = _SEQ_W * _L
_C = 2 * _L
_NG = _ROWS_W // _C
_IPG = 100
_PPC = _C // _IPG
_IDX_ROWS = _ROWS_W // _IPG


def _pe_body(out_ref):
    row = lax.broadcasted_iota(jnp.int32, (_L, _D), 0).astype(jnp.float32)
    col = lax.broadcasted_iota(jnp.int32, (_L, _D), 1)
    expo = (col // 2).astype(jnp.float32) * (2.0 / _D)
    denom = jnp.exp(expo * math.log(10000.0))
    angle = row / denom
    out_ref[...] = jnp.where(col % 2 == 0, jnp.sin(angle), jnp.cos(angle))


def _make_pe():
    return pl.pallas_call(
        _pe_body,
        out_shape=jax.ShapeDtypeStruct((_L, _D), jnp.float32),
    )()


_sc_mesh = plsc.VectorSubcoreMesh(core_axis_name="c", subcore_axis_name="s")


@functools.partial(
    pl.kernel,
    out_type=jax.ShapeDtypeStruct((_B * _L, _D), jnp.float32),
    mesh=_sc_mesh,
    scratch_types=[
        pltpu.VMEM((_IDX_ROWS, _IPG), jnp.int32),
        pltpu.VMEM((2, _C, _D), jnp.float32),
        pltpu.VMEM_SHARED((_C, _D), jnp.float32),
        pltpu.SemaphoreType.DMA((2,)),
        pltpu.SemaphoreType.DMA((2,)),
    ],
    compiler_params=pltpu.CompilerParams(use_tc_tiling_on_sc=False),
)
def _sc_embed(tok_hbm, pe_hbm, table_hbm, out_hbm, idx_v, rows_v, pe2_sh,
              gsem, osem):
    sid = lax.axis_index("s")
    wid = sid * _NC + lax.axis_index("c")
    row0 = wid * _ROWS_W
    irow0 = wid * _IDX_ROWS

    pltpu.sync_copy(tok_hbm.at[pl.ds(irow0, _IDX_ROWS)], idx_v)

    @pl.when(sid == 0)
    def _():
        pltpu.sync_copy(pe_hbm, pe2_sh.at[pl.ds(0, _L)])
        pltpu.sync_copy(pe_hbm, pe2_sh.at[pl.ds(_L, _L)])
    plsc.subcore_barrier()

    def prefill(b):
        pltpu.sync_copy(pe2_sh, rows_v.at[b])

    def start_gather(g, b):
        for p in range(_PPC):
            pltpu.async_copy(
                table_hbm.at[idx_v.at[g * _PPC + p]],
                rows_v.at[b].at[pl.ds(p * _IPG, _IPG)],
                gsem.at[b],
                add=True,
            )

    def wait_gather(b):
        pltpu.make_async_copy(
            out_hbm.at[pl.ds(0, _C)], rows_v.at[b], gsem.at[b]
        ).wait()

    def start_out(g, b):
        pltpu.async_copy(
            rows_v.at[b], out_hbm.at[pl.ds(row0 + g * _C, _C)], osem.at[b]
        )

    def wait_out(b):
        pltpu.make_async_copy(
            rows_v.at[b], out_hbm.at[pl.ds(0, _C)], osem.at[b]
        ).wait()

    prefill(0)
    start_gather(0, 0)

    def body(g, carry):
        b = g % 2
        nb = 1 - b

        @pl.when(g + 1 < _NG)
        def _():
            @pl.when(g >= 1)
            def _():
                wait_out(nb)
            prefill(nb)
            start_gather(g + 1, nb)

        wait_gather(b)
        start_out(g, b)
        return carry

    lax.fori_loop(0, _NG, body, 0)
    wait_out(0)
    wait_out(1)


def kernel(tokens, table):
    tok = tokens.reshape(-1).astype(jnp.int32).reshape(_B * _L // _IPG, _IPG)
    pe = _make_pe()
    out = _sc_embed(tok, pe, table)
    return out.reshape(_B, _L, _D)

# --- scband reference (transcript-rebuilt; emitter-appended) ---
"""Pipeline reference for scband-embedding-59072980189724 (READ-ONLY COPY).

The authoritative reference and input builder live on the scoring server;
editing this copy changes nothing except your own understanding.
"""

import jax, jax.numpy as jnp
import numpy as np

VOCAB = 1000000
D = 64
B = 4096
L = 200


def positional_encoding(l, d, dtype):
    pos = jnp.arange(l, dtype=jnp.float32)[:, None]
    div = jnp.power(10000.0, jnp.arange(0, d, 2, dtype=jnp.float32) / d)
    pe = jnp.zeros((l, d), dtype=jnp.float32)
    pe = pe.at[:, 0::2].set(jnp.sin(pos / div))
    pe = pe.at[:, 1::2].set(jnp.cos(pos / div))
    return pe[None, :, :].astype(dtype)


def setup_inputs(seed: int = 0) -> dict:
    key = jax.random.key(seed)
    k1, k2 = jax.random.split(key)
    tokens = jax.random.randint(k1, (B, L), 0, VOCAB)
    table = jax.random.normal(k2, (VOCAB, D), dtype=jnp.float32)
    return {"tokens": tokens, "table": table}


def reference(tokens, table):
    # Embedding lookup (gather)
    hs = jnp.take(table, tokens, axis=0)
    # Sinusoidal positional encoding, shape [1, L, D], broadcast-added
    pe = positional_encoding(hs.shape[1], hs.shape[2], hs.dtype)
    # dropout_rate = 0.0 -> dropout is identity
    return hs + pe

if __name__ == "__main__":
    import jax
    _d = setup_inputs()
    print(jax.jit(kernel)(*tuple(_d.values())))

</pallas_src>

<mosaic_0001>
#map = affine_map<(d0, d1) -> (0, 0)>
module attributes {stable_mosaic.version = 14 : i64} {
  func.func @_sc_embed(%arg0: i32, %arg1: i32, %arg2: memref<8192x100xi32, #tpu.memory_space<hbm>>, %arg3: memref<200x64xf32, #tpu.memory_space<hbm>>, %arg4: memref<1000000x64xf32, #tpu.memory_space<hbm>>, %arg5: memref<819200x64xf32, #tpu.memory_space<hbm>>, %arg6: memref<256x100xi32, #tpu.memory_space<vmem>>, %arg7: memref<2x400x64xf32, #tpu.memory_space<vmem>>, %arg8: memref<400x64xf32, #tpu.memory_space<vmem_shared>>, %arg9: memref<2x!tpu.dma_semaphore, #tpu.memory_space<semaphore_mem>>, %arg10: memref<2x!tpu.dma_semaphore, #tpu.memory_space<semaphore_mem>>) attributes {dimension_semantics = [#tpu.dimension_semantics<core_parallel>, #tpu.dimension_semantics<subcore_parallel>], iteration_bounds = array<i64: 2, 16>, scalar_prefetch = 0 : i64, scratch_operands = 5 : i64, tpu.core_type = #tpu.core_type<sc_vector_subcore>, window_params = [{transform_indices = #map}, {transform_indices = #map}, {transform_indices = #map}, {transform_indices = #map}]} {
    %mul3A = arith.constant 2 : i32
    %mul3A_0 = arith.muli %arg1, %mul3A : i32
    %add3A = arith.addi %mul3A_0, %arg0 : i32
    %mul3A_1 = arith.constant 25600 : i32
    %mul3A_2 = arith.muli %add3A, %mul3A_1 : i32
    %mul3A_3 = arith.constant 256 : i32
    %mul3A_4 = arith.muli %add3A, %mul3A_3 : i32
    "tpu.region"() ({
      %run_scoped3A_118 = tpu.sem_alloc : memref<!tpu.dma_semaphore, #tpu.memory_space<semaphore_mem>>
      %dma_start3A_119 = arith.constant 0 : i32
      %dma_start3A_120 = tpu.memref_slice %arg2[%mul3A_4, %dma_start3A_119] : memref<8192x100xi32, #tpu.memory_space<hbm>> -> memref<256x100xi32, #tpu.memory_space<hbm>>
      %dma_start3A_121 = arith.constant 0 : i32
      %dma_start3A_122 = tpu.memref_slice %arg2[%mul3A_4, %dma_start3A_121] : memref<8192x100xi32, #tpu.memory_space<hbm>> -> memref<256x100xi32, #tpu.memory_space<hbm>>
      tpu.enqueue_dma source(%dma_start3A_122 : memref<256x100xi32, #tpu.memory_space<hbm>>) target(%arg6 : memref<256x100xi32, #tpu.memory_space<vmem>>) target_semaphore(%run_scoped3A_118 : memref<!tpu.dma_semaphore, #tpu.memory_space<semaphore_mem>>)
      %dma_wait3A_123 = arith.constant 0 : i32
      %dma_wait3A_124 = tpu.memref_slice %arg2[%mul3A_4, %dma_wait3A_123] : memref<8192x100xi32, #tpu.memory_space<hbm>> -> memref<256x100xi32, #tpu.memory_space<hbm>>
      %dma_wait3A_125 = arith.constant 0 : i32
      %dma_wait3A_126 = tpu.memref_slice %arg2[%mul3A_4, %dma_wait3A_125] : memref<8192x100xi32, #tpu.memory_space<hbm>> -> memref<256x100xi32, #tpu.memory_space<hbm>>
      tpu.wait_dma2 semaphore(%run_scoped3A_118 : memref<!tpu.dma_semaphore, #tpu.memory_space<semaphore_mem>>) src(%dma_wait3A_126 : memref<256x100xi32, #tpu.memory_space<hbm>>) dst(%arg6 : memref<256x100xi32, #tpu.memory_space<vmem>>)
      tpu.yield
    }) : () -> ()
    %eq3A = arith.constant 0 : i32
    %eq3A_5 = arith.cmpi eq, %arg1, %eq3A : i32
    %convert_element_type3A = arith.extui %eq3A_5 : i1 to i32
    %cond3A = arith.constant 0 : i32
    %cond3A_6 = arith.cmpi ne, %convert_element_type3A, %cond3A : i32
    scf.if %cond3A_6 {
      "tpu.region"() ({
        %run_scoped3A_118 = tpu.sem_alloc : memref<!tpu.dma_semaphore, #tpu.memory_space<semaphore_mem>>
        %dma_start3A_119 = arith.constant 0 : i32
        %dma_start3A_120 = arith.constant 0 : i32
        %dma_start3A_121 = tpu.memref_slice %arg8[%dma_start3A_119, %dma_start3A_120] : memref<400x64xf32, #tpu.memory_space<vmem_shared>> -> memref<200x64xf32, #tpu.memory_space<vmem_shared>>
        tpu.enqueue_dma source(%arg3 : memref<200x64xf32, #tpu.memory_space<hbm>>) target(%dma_start3A_121 : memref<200x64xf32, #tpu.memory_space<vmem_shared>>) target_semaphore(%run_scoped3A_118 : memref<!tpu.dma_semaphore, #tpu.memory_space<semaphore_mem>>)
        %dma_wait3A_122 = arith.constant 0 : i32
        %dma_wait3A_123 = arith.constant 0 : i32
        %dma_wait3A_124 = tpu.memref_slice %arg8[%dma_wait3A_122, %dma_wait3A_123] : memref<400x64xf32, #tpu.memory_space<vmem_shared>> -> memref<200x64xf32, #tpu.memory_space<vmem_shared>>
        tpu.wait_dma2 semaphore(%run_scoped3A_118 : memref<!tpu.dma_semaphore, #tpu.memory_space<semaphore_mem>>) src(%arg3 : memref<200x64xf32, #tpu.memory_space<hbm>>) dst(%dma_wait3A_124 : memref<200x64xf32, #tpu.memory_space<vmem_shared>>)
        tpu.yield
      }) : () -> ()
      "tpu.region"() ({
        %run_scoped3A_118 = tpu.sem_alloc : memref<!tpu.dma_semaphore, #tpu.memory_space<semaphore_mem>>
        %dma_start3A_119 = arith.constant 200 : i32
        %dma_start3A_120 = arith.constant 0 : i32
        %dma_start3A_121 = tpu.memref_slice %arg8[%dma_start3A_119, %dma_start3A_120] : memref<400x64xf32, #tpu.memory_space<vmem_shared>> -> memref<200x64xf32, #tpu.memory_space<vmem_shared>>
        tpu.enqueue_dma source(%arg3 : memref<200x64xf32, #tpu.memory_space<hbm>>) target(%dma_start3A_121 : memref<200x64xf32, #tpu.memory_space<vmem_shared>>) target_semaphore(%run_scoped3A_118 : memref<!tpu.dma_semaphore, #tpu.memory_space<semaphore_mem>>)
        %dma_wait3A_122 = arith.constant 200 : i32
        %dma_wait3A_123 = arith.constant 0 : i32
        %dma_wait3A_124 = tpu.memref_slice %arg8[%dma_wait3A_122, %dma_wait3A_123] : memref<400x64xf32, #tpu.memory_space<vmem_shared>> -> memref<200x64xf32, #tpu.memory_space<vmem_shared>>
        tpu.wait_dma2 semaphore(%run_scoped3A_118 : memref<!tpu.dma_semaphore, #tpu.memory_space<semaphore_mem>>) src(%arg3 : memref<200x64xf32, #tpu.memory_space<hbm>>) dst(%dma_wait3A_124 : memref<200x64xf32, #tpu.memory_space<vmem_shared>>)
        tpu.yield
      }) : () -> ()
    } else {
    }
    %barrier3A = arith.constant 0 : index
    tpu.barrier barrier_id(%barrier3A)
    %run_scoped3A = arith.constant 0 : i32
    "tpu.region"() ({
      %run_scoped3A_118 = tpu.sem_alloc : memref<!tpu.dma_semaphore, #tpu.memory_space<semaphore_mem>>
      %dma_start3A_119 = arith.constant 0 : i32
      %dma_start3A_120 = arith.constant 0 : i32
      %dma_start3A_121 = tpu.memref_slice %arg7[%run_scoped3A, %dma_start3A_119, %dma_start3A_120] : memref<2x400x64xf32, #tpu.memory_space<vmem>> -> memref<1x400x64xf32, #tpu.memory_space<vmem>>
      %dma_start3A_122 = tpu.memref_squeeze %dma_start3A_121 : memref<1x400x64xf32, #tpu.memory_space<vmem>> -> memref<400x64xf32, #tpu.memory_space<vmem>>
      %dma_start3A_123 = arith.constant 0 : i32
      %dma_start3A_124 = arith.constant 0 : i32
      %dma_start3A_125 = tpu.memref_slice %arg7[%run_scoped3A, %dma_start3A_123, %dma_start3A_124] : memref<2x400x64xf32, #tpu.memory_space<vmem>> -> memref<1x400x64xf32, #tpu.memory_space<vmem>>
      %dma_start3A_126 = tpu.memref_squeeze %dma_start3A_125 : memref<1x400x64xf32, #tpu.memory_space<vmem>> -> memref<400x64xf32, #tpu.memory_space<vmem>>
      tpu.enqueue_dma source(%arg8 : memref<400x64xf32, #tpu.memory_space<vmem_shared>>) target(%dma_start3A_126 : memref<400x64xf32, #tpu.memory_space<vmem>>) target_semaphore(%run_scoped3A_118 : memref<!tpu.dma_semaphore, #tpu.memory_space<semaphore_mem>>)
      %dma_wait3A_127 = arith.constant 0 : i32
      %dma_wait3A_128 = arith.constant 0 : i32
      %dma_wait3A_129 = tpu.memref_slice %arg7[%run_scoped3A, %dma_wait3A_127, %dma_wait3A_128] : memref<2x400x64xf32, #tpu.memory_space<vmem>> -> memref<1x400x64xf32, #tpu.memory_space<vmem>>
      %dma_wait3A_130 = tpu.memref_squeeze %dma_wait3A_129 : memref<1x400x64xf32, #tpu.memory_space<vmem>> -> memref<400x64xf32, #tpu.memory_space<vmem>>
      %dma_wait3A_131 = arith.constant 0 : i32
      %dma_wait3A_132 = arith.constant 0 : i32
      %dma_wait3A_133 = tpu.memref_slice %arg7[%run_scoped3A, %dma_wait3A_131, %dma_wait3A_132] : memref<2x400x64xf32, #tpu.memory_space<vmem>> -> memref<1x400x64xf32, #tpu.memory_space<vmem>>
      %dma_wait3A_134 = tpu.memref_squeeze %dma_wait3A_133 : memref<1x400x64xf32, #tpu.memory_space<vmem>> -> memref<400x64xf32, #tpu.memory_space<vmem>>
      tpu.wait_dma2 semaphore(%run_scoped3A_118 : memref<!tpu.dma_semaphore, #tpu.memory_space<semaphore_mem>>) src(%arg8 : memref<400x64xf32, #tpu.memory_space<vmem_shared>>) dst(%dma_wait3A_134 : memref<400x64xf32, #tpu.memory_space<vmem>>)
      tpu.yield
    }) : () -> ()
    %dma_start3A = arith.constant 0 : i32
    %dma_start3A_7 = arith.constant 0 : i32
    %dma_start3A_8 = arith.constant 0 : i32
    %dma_start3A_9 = arith.constant 0 : i32
    %dma_start3A_10 = arith.constant 0 : i32
    %dma_start3A_11 = tpu.memref_slice %arg7[%dma_start3A_7, %dma_start3A_9, %dma_start3A_10] : memref<2x400x64xf32, #tpu.memory_space<vmem>> -> memref<1x400x64xf32, #tpu.memory_space<vmem>>
    %dma_start3A_12 = tpu.memref_squeeze %dma_start3A_11 : memref<1x400x64xf32, #tpu.memory_space<vmem>> -> memref<400x64xf32, #tpu.memory_space<vmem>>
    %dma_start3A_13 = arith.constant 0 : i32
    %dma_start3A_14 = arith.constant 0 : i32
    %dma_start3A_15 = tpu.memref_slice %dma_start3A_12[%dma_start3A_13, %dma_start3A_14] : memref<400x64xf32, #tpu.memory_space<vmem>> -> memref<100x64xf32, #tpu.memory_space<vmem>>
    %dma_start3A_16 = arith.constant 0 : i32
    %dma_start3A_17 = tpu.memref_slice %arg6[%dma_start3A, %dma_start3A_16] : memref<256x100xi32, #tpu.memory_space<vmem>> -> memref<1x100xi32, #tpu.memory_space<vmem>>
    %dma_start3A_18 = tpu.memref_squeeze %dma_start3A_17 : memref<1x100xi32, #tpu.memory_space<vmem>> -> memref<100xi32, #tpu.memory_space<vmem>>
    %dma_start3A_19 = arith.constant 0 : i32
    %dma_start3A_20 = arith.constant 0 : i32
    %dma_start3A_21 = tpu.memref_slice %arg4[%dma_start3A_19, %dma_start3A_20] : memref<1000000x64xf32, #tpu.memory_space<hbm>> -> memref<1000000x64xf32, #tpu.memory_space<hbm>>
    %dma_start3A_22 = tpu.memref_slice %arg9[%dma_start3A_8] : memref<2x!tpu.dma_semaphore, #tpu.memory_space<semaphore_mem>> -> memref<1x!tpu.dma_semaphore, #tpu.memory_space<semaphore_mem>>
    %dma_start3A_23 = tpu.memref_squeeze %dma_start3A_22 : memref<1x!tpu.dma_semaphore, #tpu.memory_space<semaphore_mem>> -> memref<!tpu.dma_semaphore, #tpu.memory_space<semaphore_mem>>
    tpu.enqueue_indirect_dma source(%dma_start3A_21 : memref<1000000x64xf32, #tpu.memory_space<hbm>>) target(%dma_start3A_15 : memref<100x64xf32, #tpu.memory_space<vmem>>) offsets(%dma_start3A_18 : memref<100xi32, #tpu.memory_space<vmem>>) semaphore(%dma_start3A_23 : memref<!tpu.dma_semaphore, #tpu.memory_space<semaphore_mem>>) {add = true}
    %dma_start3A_24 = arith.constant 1 : i32
    %dma_start3A_25 = arith.constant 0 : i32
    %dma_start3A_26 = arith.constant 0 : i32
    %dma_start3A_27 = arith.constant 0 : i32
    %dma_start3A_28 = arith.constant 0 : i32
    %dma_start3A_29 = tpu.memref_slice %arg7[%dma_start3A_25, %dma_start3A_27, %dma_start3A_28] : memref<2x400x64xf32, #tpu.memory_space<vmem>> -> memref<1x400x64xf32, #tpu.memory_space<vmem>>
    %dma_start3A_30 = tpu.memref_squeeze %dma_start3A_29 : memref<1x400x64xf32, #tpu.memory_space<vmem>> -> memref<400x64xf32, #tpu.memory_space<vmem>>
    %dma_start3A_31 = arith.constant 100 : i32
    %dma_start3A_32 = arith.constant 0 : i32
    %dma_start3A_33 = tpu.memref_slice %dma_start3A_30[%dma_start3A_31, %dma_start3A_32] : memref<400x64xf32, #tpu.memory_space<vmem>> -> memref<100x64xf32, #tpu.memory_space<vmem>>
    %dma_start3A_34 = arith.constant 0 : i32
    %dma_start3A_35 = tpu.memref_slice %arg6[%dma_start3A_24, %dma_start3A_34] : memref<256x100xi32, #tpu.memory_space<vmem>> -> memref<1x100xi32, #tpu.memory_space<vmem>>
    %dma_start3A_36 = tpu.memref_squeeze %dma_start3A_35 : memref<1x100xi32, #tpu.memory_space<vmem>> -> memref<100xi32, #tpu.memory_space<vmem>>
    %dma_start3A_37 = arith.constant 0 : i32
    %dma_start3A_38 = arith.constant 0 : i32
    %dma_start3A_39 = tpu.memref_slice %arg4[%dma_start3A_37, %dma_start3A_38] : memref<1000000x64xf32, #tpu.memory_space<hbm>> -> memref<1000000x64xf32, #tpu.memory_space<hbm>>
    %dma_start3A_40 = tpu.memref_slice %arg9[%dma_start3A_26] : memref<2x!tpu.dma_semaphore, #tpu.memory_space<semaphore_mem>> -> memref<1x!tpu.dma_semaphore, #tpu.memory_space<semaphore_mem>>
    %dma_start3A_41 = tpu.memref_squeeze %dma_start3A_40 : memref<1x!tpu.dma_semaphore, #tpu.memory_space<semaphore_mem>> -> memref<!tpu.dma_semaphore, #tpu.memory_space<semaphore_mem>>
    tpu.enqueue_indirect_dma source(%dma_start3A_39 : memref<1000000x64xf32, #tpu.memory_space<hbm>>) target(%dma_start3A_33 : memref<100x64xf32, #tpu.memory_space<vmem>>) offsets(%dma_start3A_36 : memref<100xi32, #tpu.memory_space<vmem>>) semaphore(%dma_start3A_41 : memref<!tpu.dma_semaphore, #tpu.memory_space<semaphore_mem>>) {add = true}
    %dma_start3A_42 = arith.constant 2 : i32
    %dma_start3A_43 = arith.constant 0 : i32
    %dma_start3A_44 = arith.constant 0 : i32
    %dma_start3A_45 = arith.constant 0 : i32
    %dma_start3A_46 = arith.constant 0 : i32
    %dma_start3A_47 = tpu.memref_slice %arg7[%dma_start3A_43, %dma_start3A_45, %dma_start3A_46] : memref<2x400x64xf32, #tpu.memory_space<vmem>> -> memref<1x400x64xf32, #tpu.memory_space<vmem>>
    %dma_start3A_48 = tpu.memref_squeeze %dma_start3A_47 : memref<1x400x64xf32, #tpu.memory_space<vmem>> -> memref<400x64xf32, #tpu.memory_space<vmem>>
    %dma_start3A_49 = arith.constant 200 : i32
    %dma_start3A_50 = arith.constant 0 : i32
    %dma_start3A_51 = tpu.memref_slice %dma_start3A_48[%dma_start3A_49, %dma_start3A_50] : memref<400x64xf32, #tpu.memory_space<vmem>> -> memref<100x64xf32, #tpu.memory_space<vmem>>
    %dma_start3A_52 = arith.constant 0 : i32
    %dma_start3A_53 = tpu.memref_slice %arg6[%dma_start3A_42, %dma_start3A_52] : memref<256x100xi32, #tpu.memory_space<vmem>> -> memref<1x100xi32, #tpu.memory_space<vmem>>
    %dma_start3A_54 = tpu.memref_squeeze %dma_start3A_53 : memref<1x100xi32, #tpu.memory_space<vmem>> -> memref<100xi32, #tpu.memory_space<vmem>>
    %dma_start3A_55 = arith.constant 0 : i32
    %dma_start3A_56 = arith.constant 0 : i32
    %dma_start3A_57 = tpu.memref_slice %arg4[%dma_start3A_55, %dma_start3A_56] : memref<1000000x64xf32, #tpu.memory_space<hbm>> -> memref<1000000x64xf32, #tpu.memory_space<hbm>>
    %dma_start3A_58 = tpu.memref_slice %arg9[%dma_start3A_44] : memref<2x!tpu.dma_semaphore, #tpu.memory_space<semaphore_mem>> -> memref<1x!tpu.dma_semaphore, #tpu.memory_space<semaphore_mem>>
    %dma_start3A_59 = tpu.memref_squeeze %dma_start3A_58 : memref<1x!tpu.dma_semaphore, #tpu.memory_space<semaphore_mem>> -> memref<!tpu.dma_semaphore, #tpu.memory_space<semaphore_mem>>
    tpu.enqueue_indirect_dma source(%dma_start3A_57 : memref<1000000x64xf32, #tpu.memory_space<hbm>>) target(%dma_start3A_51 : memref<100x64xf32, #tpu.memory_space<vmem>>) offsets(%dma_start3A_54 : memref<100xi32, #tpu.memory_space<vmem>>) semaphore(%dma_start3A_59 : memref<!tpu.dma_semaphore, #tpu.memory_space<semaphore_mem>>) {add = true}
    %dma_start3A_60 = arith.constant 3 : i32
    %dma_start3A_61 = arith.constant 0 : i32
    %dma_start3A_62 = arith.constant 0 : i32
    %dma_start3A_63 = arith.constant 0 : i32
    %dma_start3A_64 = arith.constant 0 : i32
    %dma_start3A_65 = tpu.memref_slice %arg7[%dma_start3A_61, %dma_start3A_63, %dma_start3A_64] : memref<2x400x64xf32, #tpu.memory_space<vmem>> -> memref<1x400x64xf32, #tpu.memory_space<vmem>>
    %dma_start3A_66 = tpu.memref_squeeze %dma_start3A_65 : memref<1x400x64xf32, #tpu.memory_space<vmem>> -> memref<400x64xf32, #tpu.memory_space<vmem>>
    %dma_start3A_67 = arith.constant 300 : i32
    %dma_start3A_68 = arith.constant 0 : i32
    %dma_start3A_69 = tpu.memref_slice %dma_start3A_66[%dma_start3A_67, %dma_start3A_68] : memref<400x64xf32, #tpu.memory_space<vmem>> -> memref<100x64xf32, #tpu.memory_space<vmem>>
    %dma_start3A_70 = arith.constant 0 : i32
    %dma_start3A_71 = tpu.memref_slice %arg6[%dma_start3A_60, %dma_start3A_70] : memref<256x100xi32, #tpu.memory_space<vmem>> -> memref<1x100xi32, #tpu.memory_space<vmem>>
    %dma_start3A_72 = tpu.memref_squeeze %dma_start3A_71 : memref<1x100xi32, #tpu.memory_space<vmem>> -> memref<100xi32, #tpu.memory_space<vmem>>
    %dma_start3A_73 = arith.constant 0 : i32
    %dma_start3A_74 = arith.constant 0 : i32
    %dma_start3A_75 = tpu.memref_slice %arg4[%dma_start3A_73, %dma_start3A_74] : memref<1000000x64xf32, #tpu.memory_space<hbm>> -> memref<1000000x64xf32, #tpu.memory_space<hbm>>
    %dma_start3A_76 = tpu.memref_slice %arg9[%dma_start3A_62] : memref<2x!tpu.dma_semaphore, #tpu.memory_space<semaphore_mem>> -> memref<1x!tpu.dma_semaphore, #tpu.memory_space<semaphore_mem>>
    %dma_start3A_77 = tpu.memref_squeeze %dma_start3A_76 : memref<1x!tpu.dma_semaphore, #tpu.memory_space<semaphore_mem>> -> memref<!tpu.dma_semaphore, #tpu.memory_space<semaphore_mem>>
    tpu.enqueue_indirect_dma source(%dma_start3A_75 : memref<1000000x64xf32, #tpu.memory_space<hbm>>) target(%dma_start3A_69 : memref<100x64xf32, #tpu.memory_space<vmem>>) offsets(%dma_start3A_72 : memref<100xi32, #tpu.memory_space<vmem>>) semaphore(%dma_start3A_77 : memref<!tpu.dma_semaphore, #tpu.memory_space<semaphore_mem>>) {add = true}
    %scan3A = arith.constant 0 : i32
    %scan3A_78 = arith.constant 0 : i32
    %scan3A_79 = arith.constant 64 : i32
    %scan3A_80 = arith.addi %scan3A_78, %scan3A_79 : i32
    %scan3A_81 = arith.constant 1 : i32
    scf.for %scan3A_118 = %scan3A_78 to %scan3A_80 step %scan3A_81  : i32 {
      %jit3A = arith.constant 2 : i32
      %eq3A_119 = arith.constant 0 : i32
      %eq3A_120 = arith.cmpi eq, %jit3A, %eq3A_119 : i32
      %jit3A_121 = arith.constant 1 : i32
      %select_n3A = arith.select %eq3A_120, %jit3A_121, %jit3A : i32
      %rem3A = arith.remsi %scan3A_118, %select_n3A : i32
      %ne3A = arith.constant 0 : i32
      %ne3A_122 = arith.cmpi ne, %rem3A, %ne3A : i32
      %lt3A = arith.constant 0 : i32
      %lt3A_123 = arith.cmpi slt, %rem3A, %lt3A : i32
      %lt3A_124 = arith.constant 0 : i32
      %lt3A_125 = arith.cmpi slt, %select_n3A, %lt3A_124 : i32
      %ne3A_126 = arith.xori %lt3A_123, %lt3A_125 : i1
      %and3A = arith.andi %ne3A_126, %ne3A_122 : i1
      %add3A_127 = arith.addi %rem3A, %select_n3A : i32
      %select_n3A_128 = arith.select %and3A, %add3A_127, %rem3A : i32
      %sub3A = arith.constant 1 : i32
      %sub3A_129 = arith.subi %sub3A, %select_n3A_128 : i32
      %add3A_130 = arith.constant 1 : i32
      %add3A_131 = arith.addi %scan3A_118, %add3A_130 : i32
      %lt3A_132 = arith.constant 64 : i32
      %lt3A_133 = arith.cmpi slt, %add3A_131, %lt3A_132 : i32
      %convert_element_type3A_134 = arith.extui %lt3A_133 : i1 to i32
      %cond3A_135 = arith.constant 0 : i32
      %cond3A_136 = arith.cmpi ne, %convert_element_type3A_134, %cond3A_135 : i32
      scf.if %cond3A_136 {
        %ge3A = arith.constant 1 : i32
        %ge3A_170 = arith.cmpi sge, %scan3A_118, %ge3A : i32
        %convert_element_type3A_171 = arith.extui %ge3A_170 : i1 to i32
        %cond3A_172 = arith.constant 0 : i32
        %cond3A_173 = arith.cmpi ne, %convert_element_type3A_171, %cond3A_172 : i32
        scf.if %cond3A_173 {
          %dma_wait3A_252 = arith.constant 0 : i32
          %dma_wait3A_253 = arith.constant 0 : i32
          %dma_wait3A_254 = tpu.memref_slice %arg7[%sub3A_129, %dma_wait3A_252, %dma_wait3A_253] : memref<2x400x64xf32, #tpu.memory_space<vmem>> -> memref<1x400x64xf32, #tpu.memory_space<vmem>>
          %dma_wait3A_255 = tpu.memref_squeeze %dma_wait3A_254 : memref<1x400x64xf32, #tpu.memory_space<vmem>> -> memref<400x64xf32, #tpu.memory_space<vmem>>
          %dma_wait3A_256 = arith.constant 0 : i32
          %dma_wait3A_257 = arith.constant 0 : i32
          %dma_wait3A_258 = tpu.memref_slice %arg5[%dma_wait3A_256, %dma_wait3A_257] : memref<819200x64xf32, #tpu.memory_space<hbm>> -> memref<400x64xf32, #tpu.memory_space<hbm>>
          %dma_wait3A_259 = tpu.memref_slice %arg10[%sub3A_129] : memref<2x!tpu.dma_semaphore, #tpu.memory_space<semaphore_mem>> -> memref<1x!tpu.dma_semaphore, #tpu.memory_space<semaphore_mem>>
          %dma_wait3A_260 = tpu.memref_squeeze %dma_wait3A_259 : memref<1x!tpu.dma_semaphore, #tpu.memory_space<semaphore_mem>> -> memref<!tpu.dma_semaphore, #tpu.memory_space<semaphore_mem>>
          %dma_wait3A_261 = arith.constant 0 : i32
          %dma_wait3A_262 = arith.constant 0 : i32
          %dma_wait3A_263 = tpu.memref_slice %arg5[%dma_wait3A_261, %dma_wait3A_262] : memref<819200x64xf32, #tpu.memory_space<hbm>> -> memref<400x64xf32, #tpu.memory_space<hbm>>
          %dma_wait3A_264 = arith.constant 0 : i32
          %dma_wait3A_265 = arith.constant 0 : i32
          %dma_wait3A_266 = tpu.memref_slice %arg7[%sub3A_129, %dma_wait3A_264, %dma_wait3A_265] : memref<2x400x64xf32, #tpu.memory_space<vmem>> -> memref<1x400x64xf32, #tpu.memory_space<vmem>>
          %dma_wait3A_267 = tpu.memref_squeeze %dma_wait3A_266 : memref<1x400x64xf32, #tpu.memory_space<vmem>> -> memref<400x64xf32, #tpu.memory_space<vmem>>
          tpu.wait_dma2 semaphore(%dma_wait3A_260 : memref<!tpu.dma_semaphore, #tpu.memory_space<semaphore_mem>>) src(%dma_wait3A_267 : memref<400x64xf32, #tpu.memory_space<vmem>>) dst(%dma_wait3A_263 : memref<400x64xf32, #tpu.memory_space<hbm>>)
        } else {
        }
        "tpu.region"() ({
          %run_scoped3A_252 = tpu.sem_alloc : memref<!tpu.dma_semaphore, #tpu.memory_space<semaphore_mem>>
          %dma_start3A_253 = arith.constant 0 : i32
          %dma_start3A_254 = arith.constant 0 : i32
          %dma_start3A_255 = tpu.memref_slice %arg7[%sub3A_129, %dma_start3A_253, %dma_start3A_254] : memref<2x400x64xf32, #tpu.memory_space<vmem>> -> memref<1x400x64xf32, #tpu.memory_space<vmem>>
          %dma_start3A_256 = tpu.memref_squeeze %dma_start3A_255 : memref<1x400x64xf32, #tpu.memory_space<vmem>> -> memref<400x64xf32, #tpu.memory_space<vmem>>
          %dma_start3A_257 = arith.constant 0 : i32
          %dma_start3A_258 = arith.constant 0 : i32
          %dma_start3A_259 = tpu.memref_slice %arg7[%sub3A_129, %dma_start3A_257, %dma_start3A_258] : memref<2x400x64xf32, #tpu.memory_space<vmem>> -> memref<1x400x64xf32, #tpu.memory_space<vmem>>
          %dma_start3A_260 = tpu.memref_squeeze %dma_start3A_259 : memref<1x400x64xf32, #tpu.memory_space<vmem>> -> memref<400x64xf32, #tpu.memory_space<vmem>>
          tpu.enqueue_dma source(%arg8 : memref<400x64xf32, #tpu.memory_space<vmem_shared>>) target(%dma_start3A_260 : memref<400x64xf32, #tpu.memory_space<vmem>>) target_semaphore(%run_scoped3A_252 : memref<!tpu.dma_semaphore, #tpu.memory_space<semaphore_mem>>)
          %dma_wait3A_261 = arith.constant 0 : i32
          %dma_wait3A_262 = arith.constant 0 : i32
          %dma_wait3A_263 = tpu.memref_slice %arg7[%sub3A_129, %dma_wait3A_261, %dma_wait3A_262] : memref<2x400x64xf32, #tpu.memory_space<vmem>> -> memref<1x400x64xf32, #tpu.memory_space<vmem>>
          %dma_wait3A_264 = tpu.memref_squeeze %dma_wait3A_263 : memref<1x400x64xf32, #tpu.memory_space<vmem>> -> memref<400x64xf32, #tpu.memory_space<vmem>>
          %dma_wait3A_265 = arith.constant 0 : i32
          %dma_wait3A_266 = arith.constant 0 : i32
          %dma_wait3A_267 = tpu.memref_slice %arg7[%sub3A_129, %dma_wait3A_265, %dma_wait3A_266] : memref<2x400x64xf32, #tpu.memory_space<vmem>> -> memref<1x400x64xf32, #tpu.memory_space<vmem>>
          %dma_wait3A_268 = tpu.memref_squeeze %dma_wait3A_267 : memref<1x400x64xf32, #tpu.memory_space<vmem>> -> memref<400x64xf32, #tpu.memory_space<vmem>>
          tpu.wait_dma2 semaphore(%run_scoped3A_252 : memref<!tpu.dma_semaphore, #tpu.memory_space<semaphore_mem>>) src(%arg8 : memref<400x64xf32, #tpu.memory_space<vmem_shared>>) dst(%dma_wait3A_268 : memref<400x64xf32, #tpu.memory_space<vmem>>)
          tpu.yield
        }) : () -> ()
        %add3A_174 = arith.constant 1 : i32
        %add3A_175 = arith.addi %scan3A_118, %add3A_174 : i32
        %mul3A_176 = arith.constant 4 : i32
        %mul3A_177 = arith.muli %add3A_175, %mul3A_176 : i32
        %add3A_178 = arith.constant 0 : i32
        %add3A_179 = arith.addi %mul3A_177, %add3A_178 : i32
        %dma_start3A_180 = arith.constant 0 : i32
        %dma_start3A_181 = arith.constant 0 : i32
        %dma_start3A_182 = tpu.memref_slice %arg7[%sub3A_129, %dma_start3A_180, %dma_start3A_181] : memref<2x400x64xf32, #tpu.memory_space<vmem>> -> memref<1x400x64xf32, #tpu.memory_space<vmem>>
        %dma_start3A_183 = tpu.memref_squeeze %dma_start3A_182 : memref<1x400x64xf32, #tpu.memory_space<vmem>> -> memref<400x64xf32, #tpu.memory_space<vmem>>
        %dma_start3A_184 = arith.constant 0 : i32
        %dma_start3A_185 = arith.constant 0 : i32
        %dma_start3A_186 = tpu.memref_slice %dma_start3A_183[%dma_start3A_184, %dma_start3A_185] : memref<400x64xf32, #tpu.memory_space<vmem>> -> memref<100x64xf32, #tpu.memory_space<vmem>>
        %dma_start3A_187 = arith.constant 0 : i32
        %dma_start3A_188 = tpu.memref_slice %arg6[%add3A_179, %dma_start3A_187] : memref<256x100xi32, #tpu.memory_space<vmem>> -> memref<1x100xi32, #tpu.memory_space<vmem>>
        %dma_start3A_189 = tpu.memref_squeeze %dma_start3A_188 : memref<1x100xi32, #tpu.memory_space<vmem>> -> memref<100xi32, #tpu.memory_space<vmem>>
        %dma_start3A_190 = arith.constant 0 : i32
        %dma_start3A_191 = arith.constant 0 : i32
        %dma_start3A_192 = tpu.memref_slice %arg4[%dma_start3A_190, %dma_start3A_191] : memref<1000000x64xf32, #tpu.memory_space<hbm>> -> memref<1000000x64xf32, #tpu.memory_space<hbm>>
        %dma_start3A_193 = tpu.memref_slice %arg9[%sub3A_129] : memref<2x!tpu.dma_semaphore, #tpu.memory_space<semaphore_mem>> -> memref<1x!tpu.dma_semaphore, #tpu.memory_space<semaphore_mem>>
        %dma_start3A_194 = tpu.memref_squeeze %dma_start3A_193 : memref<1x!tpu.dma_semaphore, #tpu.memory_space<semaphore_mem>> -> memref<!tpu.dma_semaphore, #tpu.memory_space<semaphore_mem>>
        tpu.enqueue_indirect_dma source(%dma_start3A_192 : memref<1000000x64xf32, #tpu.memory_space<hbm>>) target(%dma_start3A_186 : memref<100x64xf32, #tpu.memory_space<vmem>>) offsets(%dma_start3A_189 : memref<100xi32, #tpu.memory_space<vmem>>) semaphore(%dma_start3A_194 : memref<!tpu.dma_semaphore, #tpu.memory_space<semaphore_mem>>) {add = true}
        %mul3A_195 = arith.constant 4 : i32
        %mul3A_196 = arith.muli %add3A_175, %mul3A_195 : i32
        %add3A_197 = arith.constant 1 : i32
        %add3A_198 = arith.addi %mul3A_196, %add3A_197 : i32
        %dma_start3A_199 = arith.constant 0 : i32
        %dma_start3A_200 = arith.constant 0 : i32
        %dma_start3A_201 = tpu.memref_slice %arg7[%sub3A_129, %dma_start3A_199, %dma_start3A_200] : memref<2x400x64xf32, #tpu.memory_space<vmem>> -> memref<1x400x64xf32, #tpu.memory_space<vmem>>
        %dma_start3A_202 = tpu.memref_squeeze %dma_start3A_201 : memref<1x400x64xf32, #tpu.memory_space<vmem>> -> memref<400x64xf32, #tpu.memory_space<vmem>>
        %dma_start3A_203 = arith.constant 100 : i32
        %dma_start3A_204 = arith.constant 0 : i32
        %dma_start3A_205 = tpu.memref_slice %dma_start3A_202[%dma_start3A_203, %dma_start3A_204] : memref<400x64xf32, #tpu.memory_space<vmem>> -> memref<100x64xf32, #tpu.memory_space<vmem>>
        %dma_start3A_206 = arith.constant 0 : i32
        %dma_start3A_207 = tpu.memref_slice %arg6[%add3A_198, %dma_start3A_206] : memref<256x100xi32, #tpu.memory_space<vmem>> -> memref<1x100xi32, #tpu.memory_space<vmem>>
        %dma_start3A_208 = tpu.memref_squeeze %dma_start3A_207 : memref<1x100xi32, #tpu.memory_space<vmem>> -> memref<100xi32, #tpu.memory_space<vmem>>
        %dma_start3A_209 = arith.constant 0 : i32
        %dma_start3A_210 = arith.constant 0 : i32
        %dma_start3A_211 = tpu.memref_slice %arg4[%dma_start3A_209, %dma_start3A_210] : memref<1000000x64xf32, #tpu.memory_space<hbm>> -> memref<1000000x64xf32, #tpu.memory_space<hbm>>
        %dma_start3A_212 = tpu.memref_slice %arg9[%sub3A_129] : memref<2x!tpu.dma_semaphore, #tpu.memory_space<semaphore_mem>> -> memref<1x!tpu.dma_semaphore, #tpu.memory_space<semaphore_mem>>
        %dma_start3A_213 = tpu.memref_squeeze %dma_start3A_212 : memref<1x!tpu.dma_semaphore, #tpu.memory_space<semaphore_mem>> -> memref<!tpu.dma_semaphore, #tpu.memory_space<semaphore_mem>>
        tpu.enqueue_indirect_dma source(%dma_start3A_211 : memref<1000000x64xf32, #tpu.memory_space<hbm>>) target(%dma_start3A_205 : memref<100x64xf32, #tpu.memory_space<vmem>>) offsets(%dma_start3A_208 : memref<100xi32, #tpu.memory_space<vmem>>) semaphore(%dma_start3A_213 : memref<!tpu.dma_semaphore, #tpu.memory_space<semaphore_mem>>) {add = true}
        %mul3A_214 = arith.constant 4 : i32
        %mul3A_215 = arith.muli %add3A_175, %mul3A_214 : i32
        %add3A_216 = arith.constant 2 : i32
        %add3A_217 = arith.addi %mul3A_215, %add3A_216 : i32
        %dma_start3A_218 = arith.constant 0 : i32
        %dma_start3A_219 = arith.constant 0 : i32
        %dma_start3A_220 = tpu.memref_slice %arg7[%sub3A_129, %dma_start3A_218, %dma_start3A_219] : memref<2x400x64xf32, #tpu.memory_space<vmem>> -> memref<1x400x64xf32, #tpu.memory_space<vmem>>
        %dma_start3A_221 = tpu.memref_squeeze %dma_start3A_220 : memref<1x400x64xf32, #tpu.memory_space<vmem>> -> memref<400x64xf32, #tpu.memory_space<vmem>>
        %dma_start3A_222 = arith.constant 200 : i32
        %dma_start3A_223 = arith.constant 0 : i32
        %dma_start3A_224 = tpu.memref_slice %dma_start3A_221[%dma_start3A_222, %dma_start3A_223] : memref<400x64xf32, #tpu.memory_space<vmem>> -> memref<100x64xf32, #tpu.memory_space<vmem>>
        %dma_start3A_225 = arith.constant 0 : i32
        %dma_start3A_226 = tpu.memref_slice %arg6[%add3A_217, %dma_start3A_225] : memref<256x100xi32, #tpu.memory_space<vmem>> -> memref<1x100xi32, #tpu.memory_space<vmem>>
        %dma_start3A_227 = tpu.memref_squeeze %dma_start3A_226 : memref<1x100xi32, #tpu.memory_space<vmem>> -> memref<100xi32, #tpu.memory_space<vmem>>
        %dma_start3A_228 = arith.constant 0 : i32
        %dma_start3A_229 = arith.constant 0 : i32
        %dma_start3A_230 = tpu.memref_slice %arg4[%dma_start3A_228, %dma_start3A_229] : memref<1000000x64xf32, #tpu.memory_space<hbm>> -> memref<1000000x64xf32, #tpu.memory_space<hbm>>
        %dma_start3A_231 = tpu.memref_slice %arg9[%sub3A_129] : memref<2x!tpu.dma_semaphore, #tpu.memory_space<semaphore_mem>> -> memref<1x!tpu.dma_semaphore, #tpu.memory_space<semaphore_mem>>
        %dma_start3A_232 = tpu.memref_squeeze %dma_start3A_231 : memref<1x!tpu.dma_semaphore, #tpu.memory_space<semaphore_mem>> -> memref<!tpu.dma_semaphore, #tpu.memory_space<semaphore_mem>>
        tpu.enqueue_indirect_dma source(%dma_start3A_230 : memref<1000000x64xf32, #tpu.memory_space<hbm>>) target(%dma_start3A_224 : memref<100x64xf32, #tpu.memory_space<vmem>>) offsets(%dma_start3A_227 : memref<100xi32, #tpu.memory_space<vmem>>) semaphore(%dma_start3A_232 : memref<!tpu.dma_semaphore, #tpu.memory_space<semaphore_mem>>) {add = true}
        %mul3A_233 = arith.constant 4 : i32
        %mul3A_234 = arith.muli %add3A_175, %mul3A_233 : i32
        %add3A_235 = arith.constant 3 : i32
        %add3A_236 = arith.addi %mul3A_234, %add3A_235 : i32
        %dma_start3A_237 = arith.constant 0 : i32
        %dma_start3A_238 = arith.constant 0 : i32
        %dma_start3A_239 = tpu.memref_slice %arg7[%sub3A_129, %dma_start3A_237, %dma_start3A_238] : memref<2x400x64xf32, #tpu.memory_space<vmem>> -> memref<1x400x64xf32, #tpu.memory_space<vmem>>
        %dma_start3A_240 = tpu.memref_squeeze %dma_start3A_239 : memref<1x400x64xf32, #tpu.memory_space<vmem>> -> memref<400x64xf32, #tpu.memory_space<vmem>>
        %dma_start3A_241 = arith.constant 300 : i32
        %dma_start3A_242 = arith.constant 0 : i32
        %dma_start3A_243 = tpu.memref_slice %dma_start3A_240[%dma_start3A_241, %dma_start3A_242] : memref<400x64xf32, #tpu.memory_space<vmem>> -> memref<100x64xf32, #tpu.memory_space<vmem>>
        %dma_start3A_244 = arith.constant 0 : i32
        %dma_start3A_245 = tpu.memref_slice %arg6[%add3A_236, %dma_start3A_244] : memref<256x100xi32, #tpu.memory_space<vmem>> -> memref<1x100xi32, #tpu.memory_space<vmem>>
        %dma_start3A_246 = tpu.memref_squeeze %dma_start3A_245 : memref<1x100xi32, #tpu.memory_space<vmem>> -> memref<100xi32, #tpu.memory_space<vmem>>
        %dma_start3A_247 = arith.constant 0 : i32
        %dma_start3A_248 = arith.constant 0 : i32
        %dma_start3A_249 = tpu.memref_slice %arg4[%dma_start3A_247, %dma_start3A_248] : memref<1000000x64xf32, #tpu.memory_space<hbm>> -> memref<1000000x64xf32, #tpu.memory_space<hbm>>
        %dma_start3A_250 = tpu.memref_slice %arg9[%sub3A_129] : memref<2x!tpu.dma_semaphore, #tpu.memory_space<semaphore_mem>> -> memref<1x!tpu.dma_semaphore, #tpu.memory_space<semaphore_mem>>
        %dma_start3A_251 = tpu.memref_squeeze %dma_start3A_250 : memref<1x!tpu.dma_semaphore, #tpu.memory_space<semaphore_mem>> -> memref<!tpu.dma_semaphore, #tpu.memory_space<semaphore_mem>>
        tpu.enqueue_indirect_dma source(%dma_start3A_249 : memref<1000000x64xf32, #tpu.memory_space<hbm>>) target(%dma_start3A_243 : memref<100x64xf32, #tpu.memory_space<vmem>>) offsets(%dma_start3A_246 : memref<100xi32, #tpu.memory_space<vmem>>) semaphore(%dma_start3A_251 : memref<!tpu.dma_semaphore, #tpu.memory_space<semaphore_mem>>) {add = true}
      } else {
      }
      %dma_wait3A_137 = arith.constant 0 : i32
      %dma_wait3A_138 = arith.constant 0 : i32
      %dma_wait3A_139 = tpu.memref_slice %arg7[%select_n3A_128, %dma_wait3A_137, %dma_wait3A_138] : memref<2x400x64xf32, #tpu.memory_space<vmem>> -> memref<1x400x64xf32, #tpu.memory_space<vmem>>
      %dma_wait3A_140 = tpu.memref_squeeze %dma_wait3A_139 : memref<1x400x64xf32, #tpu.memory_space<vmem>> -> memref<400x64xf32, #tpu.memory_space<vmem>>
      %dma_wait3A_141 = arith.constant 0 : i32
      %dma_wait3A_142 = arith.constant 0 : i32
      %dma_wait3A_143 = tpu.memref_slice %arg5[%dma_wait3A_141, %dma_wait3A_142] : memref<819200x64xf32, #tpu.memory_space<hbm>> -> memref<400x64xf32, #tpu.memory_space<hbm>>
      %dma_wait3A_144 = tpu.memref_slice %arg9[%select_n3A_128] : memref<2x!tpu.dma_semaphore, #tpu.memory_space<semaphore_mem>> -> memref<1x!tpu.dma_semaphore, #tpu.memory_space<semaphore_mem>>
      %dma_wait3A_145 = tpu.memref_squeeze %dma_wait3A_144 : memref<1x!tpu.dma_semaphore, #tpu.memory_space<semaphore_mem>> -> memref<!tpu.dma_semaphore, #tpu.memory_space<semaphore_mem>>
      %dma_wait3A_146 = arith.constant 0 : i32
      %dma_wait3A_147 = arith.constant 0 : i32
      %dma_wait3A_148 = tpu.memref_slice %arg7[%select_n3A_128, %dma_wait3A_146, %dma_wait3A_147] : memref<2x400x64xf32, #tpu.memory_space<vmem>> -> memref<1x400x64xf32, #tpu.memory_space<vmem>>
      %dma_wait3A_149 = tpu.memref_squeeze %dma_wait3A_148 : memref<1x400x64xf32, #tpu.memory_space<vmem>> -> memref<400x64xf32, #tpu.memory_space<vmem>>
      %dma_wait3A_150 = arith.constant 0 : i32
      %dma_wait3A_151 = arith.constant 0 : i32
      %dma_wait3A_152 = tpu.memref_slice %arg5[%dma_wait3A_150, %dma_wait3A_151] : memref<819200x64xf32, #tpu.memory_space<hbm>> -> memref<400x64xf32, #tpu.memory_space<hbm>>
      tpu.wait_dma2 semaphore(%dma_wait3A_145 : memref<!tpu.dma_semaphore, #tpu.memory_space<semaphore_mem>>) src(%dma_wait3A_152 : memref<400x64xf32, #tpu.memory_space<hbm>>) dst(%dma_wait3A_149 : memref<400x64xf32, #tpu.memory_space<vmem>>)
      %mul3A_153 = arith.constant 400 : i32
      %mul3A_154 = arith.muli %scan3A_118, %mul3A_153 : i32
      %add3A_155 = arith.addi %mul3A_2, %mul3A_154 : i32
      %dma_start3A_156 = arith.constant 0 : i32
      %dma_start3A_157 = arith.constant 0 : i32
      %dma_start3A_158 = tpu.memref_slice %arg7[%select_n3A_128, %dma_start3A_156, %dma_start3A_157] : memref<2x400x64xf32, #tpu.memory_space<vmem>> -> memref<1x400x64xf32, #tpu.memory_space<vmem>>
      %dma_start3A_159 = tpu.memref_squeeze %dma_start3A_158 : memref<1x400x64xf32, #tpu.memory_space<vmem>> -> memref<400x64xf32, #tpu.memory_space<vmem>>
      %dma_start3A_160 = arith.constant 0 : i32
      %dma_start3A_161 = tpu.memref_slice %arg5[%add3A_155, %dma_start3A_160] : memref<819200x64xf32, #tpu.memory_space<hbm>> -> memref<400x64xf32, #tpu.memory_space<hbm>>
      %dma_start3A_162 = tpu.memref_slice %arg10[%select_n3A_128] : memref<2x!tpu.dma_semaphore, #tpu.memory_space<semaphore_mem>> -> memref<1x!tpu.dma_semaphore, #tpu.memory_space<semaphore_mem>>
      %dma_start3A_163 = tpu.memref_squeeze %dma_start3A_162 : memref<1x!tpu.dma_semaphore, #tpu.memory_space<semaphore_mem>> -> memref<!tpu.dma_semaphore, #tpu.memory_space<semaphore_mem>>
      %dma_start3A_164 = arith.constant 0 : i32
      %dma_start3A_165 = tpu.memref_slice %arg5[%add3A_155, %dma_start3A_164] : memref<819200x64xf32, #tpu.memory_space<hbm>> -> memref<400x64xf32, #tpu.memory_space<hbm>>
      %dma_start3A_166 = arith.constant 0 : i32
      %dma_start3A_167 = arith.constant 0 : i32
      %dma_start3A_168 = tpu.memref_slice %arg7[%select_n3A_128, %dma_start3A_166, %dma_start3A_167] : memref<2x400x64xf32, #tpu.memory_space<vmem>> -> memref<1x400x64xf32, #tpu.memory_space<vmem>>
      %dma_start3A_169 = tpu.memref_squeeze %dma_start3A_168 : memref<1x400x64xf32, #tpu.memory_space<vmem>> -> memref<400x64xf32, #tpu.memory_space<vmem>>
      tpu.enqueue_dma source(%dma_start3A_169 : memref<400x64xf32, #tpu.memory_space<vmem>>) target(%dma_start3A_165 : memref<400x64xf32, #tpu.memory_space<hbm>>) target_semaphore(%dma_start3A_163 : memref<!tpu.dma_semaphore, #tpu.memory_space<semaphore_mem>>)
    }
    %scan3A_82 = arith.constant 64 : i32
    %dma_wait3A = arith.constant 0 : i32
    %dma_wait3A_83 = arith.constant 0 : i32
    %dma_wait3A_84 = arith.constant 0 : i32
    %dma_wait3A_85 = arith.constant 0 : i32
    %dma_wait3A_86 = tpu.memref_slice %arg7[%dma_wait3A, %dma_wait3A_84, %dma_wait3A_85] : memref<2x400x64xf32, #tpu.memory_space<vmem>> -> memref<1x400x64xf32, #tpu.memory_space<vmem>>
    %dma_wait3A_87 = tpu.memref_squeeze %dma_wait3A_86 : memref<1x400x64xf32, #tpu.memory_space<vmem>> -> memref<400x64xf32, #tpu.memory_space<vmem>>
    %dma_wait3A_88 = arith.constant 0 : i32
    %dma_wait3A_89 = arith.constant 0 : i32
    %dma_wait3A_90 = tpu.memref_slice %arg5[%dma_wait3A_88, %dma_wait3A_89] : memref<819200x64xf32, #tpu.memory_space<hbm>> -> memref<400x64xf32, #tpu.memory_space<hbm>>
    %dma_wait3A_91 = tpu.memref_slice %arg10[%dma_wait3A_83] : memref<2x!tpu.dma_semaphore, #tpu.memory_space<semaphore_mem>> -> memref<1x!tpu.dma_semaphore, #tpu.memory_space<semaphore_mem>>
    %dma_wait3A_92 = tpu.memref_squeeze %dma_wait3A_91 : memref<1x!tpu.dma_semaphore, #tpu.memory_space<semaphore_mem>> -> memref<!tpu.dma_semaphore, #tpu.memory_space<semaphore_mem>>
    %dma_wait3A_93 = arith.constant 0 : i32
    %dma_wait3A_94 = arith.constant 0 : i32
    %dma_wait3A_95 = tpu.memref_slice %arg5[%dma_wait3A_93, %dma_wait3A_94] : memref<819200x64xf32, #tpu.memory_space<hbm>> -> memref<400x64xf32, #tpu.memory_space<hbm>>
    %dma_wait3A_96 = arith.constant 0 : i32
    %dma_wait3A_97 = arith.constant 0 : i32
    %dma_wait3A_98 = tpu.memref_slice %arg7[%dma_wait3A, %dma_wait3A_96, %dma_wait3A_97] : memref<2x400x64xf32, #tpu.memory_space<vmem>> -> memref<1x400x64xf32, #tpu.memory_space<vmem>>
    %dma_wait3A_99 = tpu.memref_squeeze %dma_wait3A_98 : memref<1x400x64xf32, #tpu.memory_space<vmem>> -> memref<400x64xf32, #tpu.memory_space<vmem>>
    tpu.wait_dma2 semaphore(%dma_wait3A_92 : memref<!tpu.dma_semaphore, #tpu.memory_space<semaphore_mem>>) src(%dma_wait3A_99 : memref<400x64xf32, #tpu.memory_space<vmem>>) dst(%dma_wait3A_95 : memref<400x64xf32, #tpu.memory_space<hbm>>)
    %dma_wait3A_100 = arith.constant 1 : i32
    %dma_wait3A_101 = arith.constant 1 : i32
    %dma_wait3A_102 = arith.constant 0 : i32
    %dma_wait3A_103 = arith.constant 0 : i32
    %dma_wait3A_104 = tpu.memref_slice %arg7[%dma_wait3A_100, %dma_wait3A_102, %dma_wait3A_103] : memref<2x400x64xf32, #tpu.memory_space<vmem>> -> memref<1x400x64xf32, #tpu.memory_space<vmem>>
    %dma_wait3A_105 = tpu.memref_squeeze %dma_wait3A_104 : memref<1x400x64xf32, #tpu.memory_space<vmem>> -> memref<400x64xf32, #tpu.memory_space<vmem>>
    %dma_wait3A_106 = arith.constant 0 : i32
    %dma_wait3A_107 = arith.constant 0 : i32
    %dma_wait3A_108 = tpu.memref_slice %arg5[%dma_wait3A_106, %dma_wait3A_107] : memref<819200x64xf32, #tpu.memory_space<hbm>> -> memref<400x64xf32, #tpu.memory_space<hbm>>
    %dma_wait3A_109 = tpu.memref_slice %arg10[%dma_wait3A_101] : memref<2x!tpu.dma_semaphore, #tpu.memory_space<semaphore_mem>> -> memref<1x!tpu.dma_semaphore, #tpu.memory_space<semaphore_mem>>
    %dma_wait3A_110 = tpu.memref_squeeze %dma_wait3A_109 : memref<1x!tpu.dma_semaphore, #tpu.memory_space<semaphore_mem>> -> memref<!tpu.dma_semaphore, #tpu.memory_space<semaphore_mem>>
    %dma_wait3A_111 = arith.constant 0 : i32
    %dma_wait3A_112 = arith.constant 0 : i32
    %dma_wait3A_113 = tpu.memref_slice %arg5[%dma_wait3A_111, %dma_wait3A_112] : memref<819200x64xf32, #tpu.memory_space<hbm>> -> memref<400x64xf32, #tpu.memory_space<hbm>>
    %dma_wait3A_114 = arith.constant 0 : i32
    %dma_wait3A_115 = arith.constant 0 : i32
    %dma_wait3A_116 = tpu.memref_slice %arg7[%dma_wait3A_100, %dma_wait3A_114, %dma_wait3A_115] : memref<2x400x64xf32, #tpu.memory_space<vmem>> -> memref<1x400x64xf32, #tpu.memory_space<vmem>>
    %dma_wait3A_117 = tpu.memref_squeeze %dma_wait3A_116 : memref<1x400x64xf32, #tpu.memory_space<vmem>> -> memref<400x64xf32, #tpu.memory_space<vmem>>
    tpu.wait_dma2 semaphore(%dma_wait3A_110 : memref<!tpu.dma_semaphore, #tpu.memory_space<semaphore_mem>>) src(%dma_wait3A_117 : memref<400x64xf32, #tpu.memory_space<vmem>>) dst(%dma_wait3A_113 : memref<400x64xf32, #tpu.memory_space<hbm>>)
    return
  }
}

module attributes {stable_mosaic.version = 14 : i64} {
  func.func @_pe_body(%arg0: memref<200x64xf32, #tpu.memory_space<vmem>>) attributes {dimension_semantics = [], scalar_prefetch = 0 : i64, scratch_operands = 0 : i64, tpu.core_type = #tpu.core_type<tc>} {
    %iota3A = tpu.iota {dimensions = array<i32: 0>} : vector<200x64xi32>
    %convert_element_type3A = arith.sitofp %iota3A : vector<200x64xi32> to vector<200x64xf32>
    %iota3A_0 = tpu.iota {dimensions = array<i32: 1>} : vector<200x64xi32>
    %jit3A = arith.constant 2 : i32
    %div3A = vector.broadcast %jit3A : i32 to vector<200x64xi32>
    %div3A_1 = arith.divsi %iota3A_0, %div3A : vector<200x64xi32>
    %sign3A = arith.constant 0 : i32
    %sign3A_2 = vector.broadcast %sign3A : i32 to vector<200x64xi32>
    %sign3A_3 = arith.cmpi sgt, %iota3A_0, %sign3A_2 : vector<200x64xi32>
    %sign3A_4 = arith.extui %sign3A_3 : vector<200x64xi1> to vector<200x64xi32>
    %sign3A_5 = arith.constant 0 : i32
    %sign3A_6 = vector.broadcast %sign3A_5 : i32 to vector<200x64xi32>
    %sign3A_7 = arith.cmpi slt, %iota3A_0, %sign3A_6 : vector<200x64xi32>
    %sign3A_8 = arith.extui %sign3A_7 : vector<200x64xi1> to vector<200x64xi32>
    %sign3A_9 = arith.subi %sign3A_4, %sign3A_8 : vector<200x64xi32>
    %sign3A_10 = arith.constant 0 : i32
    %sign3A_11 = arith.cmpi sgt, %jit3A, %sign3A_10 : i32
    %sign3A_12 = arith.extui %sign3A_11 : i1 to i32
    %sign3A_13 = arith.constant 0 : i32
    %sign3A_14 = arith.cmpi slt, %jit3A, %sign3A_13 : i32
    %sign3A_15 = arith.extui %sign3A_14 : i1 to i32
    %sign3A_16 = arith.subi %sign3A_12, %sign3A_15 : i32
    %ne3A = vector.broadcast %sign3A_16 : i32 to vector<200x64xi32>
    %ne3A_17 = arith.cmpi ne, %sign3A_9, %ne3A : vector<200x64xi32>
    %rem3A = vector.broadcast %jit3A : i32 to vector<200x64xi32>
    %rem3A_18 = arith.remsi %iota3A_0, %rem3A : vector<200x64xi32>
    %ne3A_19 = arith.constant 0 : i32
    %ne3A_20 = vector.broadcast %ne3A_19 : i32 to vector<200x64xi32>
    %ne3A_21 = arith.cmpi ne, %rem3A_18, %ne3A_20 : vector<200x64xi32>
    %and3A = arith.andi %ne3A_17, %ne3A_21 : vector<200x64xi1>
    %sub3A = arith.constant 1 : i32
    %sub3A_22 = vector.broadcast %sub3A : i32 to vector<200x64xi32>
    %sub3A_23 = arith.subi %div3A_1, %sub3A_22 : vector<200x64xi32>
    %select_n3A = arith.select %and3A, %sub3A_23, %div3A_1 : vector<200x64xi1>, vector<200x64xi32>
    %convert_element_type3A_24 = arith.sitofp %select_n3A : vector<200x64xi32> to vector<200x64xf32>
    %mul3A = arith.constant 3.125000e-02 : f32
    %mul3A_25 = vector.broadcast %mul3A : f32 to vector<200x64xf32>
    %mul3A_26 = arith.mulf %convert_element_type3A_24, %mul3A_25 : vector<200x64xf32>
    %mul3A_27 = arith.constant 9.21034049 : f32
    %mul3A_28 = vector.broadcast %mul3A_27 : f32 to vector<200x64xf32>
    %mul3A_29 = arith.mulf %mul3A_26, %mul3A_28 : vector<200x64xf32>
    %exp3A = math.exp %mul3A_29 : vector<200x64xf32>
    %div3A_30 = arith.divf %convert_element_type3A, %exp3A : vector<200x64xf32>
    %jit3A_31 = arith.constant 2 : i32
    %eq3A = arith.constant 0 : i32
    %eq3A_32 = arith.cmpi eq, %jit3A_31, %eq3A : i32
    %jit3A_33 = arith.constant 1 : i32
    %select_n3A_34 = arith.select %eq3A_32, %jit3A_33, %jit3A_31 : i32
    %rem3A_35 = vector.broadcast %select_n3A_34 : i32 to vector<200x64xi32>
    %rem3A_36 = arith.remsi %iota3A_0, %rem3A_35 : vector<200x64xi32>
    %ne3A_37 = arith.constant 0 : i32
    %ne3A_38 = vector.broadcast %ne3A_37 : i32 to vector<200x64xi32>
    %ne3A_39 = arith.cmpi ne, %rem3A_36, %ne3A_38 : vector<200x64xi32>
    %lt3A = arith.constant 0 : i32
    %lt3A_40 = vector.broadcast %lt3A : i32 to vector<200x64xi32>
    %lt3A_41 = arith.cmpi slt, %rem3A_36, %lt3A_40 : vector<200x64xi32>
    %lt3A_42 = arith.constant 0 : i32
    %lt3A_43 = arith.cmpi slt, %select_n3A_34, %lt3A_42 : i32
    %ne3A_44 = vector.broadcast %lt3A_43 : i1 to vector<200x64xi1>
    %ne3A_45 = vector.broadcast %ne3A_44 : vector<200x64xi1> to vector<200x64xi1>
    %ne3A_46 = arith.xori %lt3A_41, %ne3A_45 : vector<200x64xi1>
    %and3A_47 = arith.andi %ne3A_46, %ne3A_39 : vector<200x64xi1>
    %add3A = vector.broadcast %select_n3A_34 : i32 to vector<200x64xi32>
    %add3A_48 = arith.addi %rem3A_36, %add3A : vector<200x64xi32>
    %select_n3A_49 = arith.select %and3A_47, %add3A_48, %rem3A_36 : vector<200x64xi1>, vector<200x64xi32>
    %eq3A_50 = arith.constant 0 : i32
    %eq3A_51 = vector.broadcast %eq3A_50 : i32 to vector<200x64xi32>
    %eq3A_52 = arith.cmpi eq, %select_n3A_49, %eq3A_51 : vector<200x64xi32>
    %sin3A = math.sin %div3A_30 : vector<200x64xf32>
    %cos3A = math.cos %div3A_30 : vector<200x64xf32>
    %select_n3A_53 = arith.select %eq3A_52, %sin3A, %cos3A : vector<200x64xi1>, vector<200x64xf32>
    %swap3A = arith.constant 0 : index
    %swap3A_54 = arith.constant 0 : index
    %swap3A_55 = vector.load %arg0[%swap3A, %swap3A_54] : memref<200x64xf32, #tpu.memory_space<vmem>>, vector<200x64xf32>
    tpu.vector_store %arg0[%swap3A, %swap3A_54], %select_n3A_53 {strides = array<i32>} : memref<200x64xf32, #tpu.memory_space<vmem>>, vector<200x64xf32>,
    return
  }
}

</mosaic_0001>

<sc_bundles>
// kernel: kernel.4.cloned.1.call-start
scs
__scs_entry_jumppad:
0x0: {  	(pc) =	sbr.rel $0x88, $3  }
0x1: {  	(tag) =	ssettag $0x0;
	lr =	simm.s32 $0x1  }
0x2: {  	[smem:$0x3F9F] =	sst lr;
	_ =	strace $0xD0000000  }
0x3: {  	_ = 	snop  }
0x4: {  	_ = 	snop  }
0x5: {  	_ = 	snop  }
0x6: {  	_ = 	snop  }
0x7: {  	_ = 	snop  }
__scs_overlays_trampoline_lowered:
0x8: {  	[smem:$0x3FAE] =	sst s0  }
0x9: {  	[smem:$0x3FAF] =	sst s1  }
0xa: {  	[smem:$0x3FB0] =	sst s2  }
0xb: {  	[smem:$0x3FB1] =	sst s3  }
0xc: {  	[smem:$0x3FB2] =	sst s4  }
0xd: {  	[smem:$0x3FB3] =	sst s5  }
0xe: {  	[smem:$0x3FB4] =	sst s6  }
0xf: {  	[smem:$0x3FB5] =	sst s7  }
0x10: {  	[smem:$0x3FB6] =	sst s8  }
0x11: {  	[smem:$0x3FB7] =	sst s9;
	s0 =	simm.s32 @!p0 $0x0  }
0x12: {  	s1 =	sld [smem:$0x3F9D];
	s0 =	simm.s32 @p0 $0x1  }
0x13: {  	[smem:$0x3FB8] =	sst s0;
	s0 =	simm.s32 @!p1 $0x0  }
0x14: {  	s2 =	sld [smem:$0x3F9C];
	s0 =	simm.s32 @p1 $0x1  }
0x15: {  	[smem:$0x3FB9] =	sst s0;
	s0 =	simm.s32 @!p2 $0x0  }
0x16: {  	s3 =	sld [smem:$0x3FDB];
	s0 =	simm.s32 @p2 $0x1  }
0x17: {  	s4 =	simm.s32 $0x1BF5;
	[smem:$0x3FBB] =	sst s0  }
0x18: {  	s0 =	sld [smem:$0x3F9E];
	_ =	swait.ge [sflag:s4], $0x0  }
0x19: {  	s7 =	sld [smem:$0x3F9F]  }
0x1a: {  	s8 =	sadd.s32 $0xFFFFE003, lr  }
0x1b: {  	s9 =	sadd.s32 $0xFFFFFEF7, lr;
	s5 =	simm.s32 $0xFFFFFFFF;
	p2 =	slt.u32 s8, $0xFFFFF086  }
0x1c: {  	p1 =	slt.u32 s9, $0xF7A;
	s5 =	simm.s32 @!p2 $0x0  }
0x1d: {  	s5 =	simm.s32 @p1 $0x1;
	p0 =	seq.s32 s7, s2  }
0x1e: {  	s7 =	smul.u32 @!p0 $0xF7A, s2;
	p2 =	seq.s32 @!p0 s5, $0x0  }
0x1f: {  	s9 =	smul.u32 $0xF7A, s1;
	s8 =	simm.s32 @!p0 $0x1BF5;
	p2 =	por !p2, p0  }
0x20: {  	[sflag:s8] =	ssyncset.s32 @!p0 $0xFFFFF086;
	s6 =	sadd.s32 @!p0 s3, s7;
	s7 =	simm.s32 @!p0 $0x108  }
0x21: {  	s3 =	sadd.s32 s3, s9;
	s6 =	sadd.s32 @!p0 $0x88, s6;
	s7 =	simm.s32 @p2 $0x1082  }
0x22: {  	[simem:s7], [sflag:s8] =	dma.local @!p0 [hbm:s6], $0xF7A  }
0x23: {  	s9 =	sor.u32 $0xD0000000, s2;
	s6 =	simm.s32 $0x108;
	_ =	swait.ge @!p0 [sflag:s8], $0x0  }
0x24: {  	s3 =	sadd.s32 $0x88, s3;
	s6 =	simm.s32 @!p1 $0x1082;
	[sflag:s4] =	ssyncset.s32 $0xFFFFF086  }
0x25: {  	[simem:s6], [sflag:s4] =	dma.local [hbm:s3], $0xF7A  }
0x26: {  	[smem:$0x3F9F] =	sst s1;
	(tag) =	ssettag s2;
	_ =	strace s9  }
0x27: {  	s1 =	sld [smem:$0x3FAF]  }
0x28: {  	s2 =	sld [smem:$0x3FB0]  }
0x29: {  	s4 =	sld [smem:$0x3FB2]  }
0x2a: {  	p0 =	seq.s32 s5, $0x0;
	s5 =	sld [smem:$0x3FB3]  }
0x2b: {  	s6 =	sld [smem:$0x3FB4]  }
0x2c: {  	s7 =	sld [smem:$0x3FB5]  }
0x2d: {  	s3 =	simm.s32 $0x108;
	s8 =	sld [smem:$0x3FB6]  }
0x2e: {  	s3 =	simm.s32 @!p0 $0x1082;
	s9 =	sld [smem:$0x3FB7]  }
0x2f: {  	lr =	sadd.s32 s0, s3;
	s0 =	sld [smem:$0x3FAE]  }
0x30: {  	s3 =	sld [smem:$0x3FB1]  }
0x31: {  	[smem:$0x3FBA] =	sst s10  }
0x32: {  	s10 =	sld [smem:$0x3FB8];
	_ =	sdelay $0x3  }
0x33: {  	p0 =	seq.s32 s10, $0x1;
	s10 =	sld [smem:$0x3FBA];
	_ =	sdelay $0x3  }
0x34: {  	[smem:$0x3FBA] =	sst s10  }
0x35: {  	s10 =	sld [smem:$0x3FB9];
	_ =	sdelay $0x3  }
0x36: {  	p1 =	seq.s32 s10, $0x1;
	s10 =	sld [smem:$0x3FBA];
	_ =	sdelay $0x3  }
0x37: {  	[smem:$0x3FBA] =	sst s10  }
0x38: {  	s10 =	sld [smem:$0x3FBB]  }
0x39: {  	_ = 	snop;
	(pc) =	sbr.ind lr, $3  }
0x3a: {  	_ = 	snop  }
0x3b: {  	_ = 	snop  }
0x3c: {  	p2 =	seq.s32 s10, $0x1;
	s10 =	sld [smem:$0x3FBA]  }
0x3d: {  	_ =	shalt  }
0x3e: {  	_ =	shalt  }
0x3f: {  	_ =	shalt  }
0x40: {  	_ =	shalt  }
0x41: {  	_ =	shalt  }
0x42: {  	_ =	shalt  }
0x43: {  	_ =	shalt  }
0x44: {  	_ =	shalt  }
0x45: {  	_ =	shalt  }
0x46: {  	_ =	shalt  }
0x47: {  	_ =	shalt  }
0x48: {  	_ =	shalt  }
0x49: {  	_ =	shalt  }
0x4a: {  	_ =	shalt  }
0x4b: {  	_ =	shalt  }
0x4c: {  	_ =	shalt  }
0x4d: {  	_ =	shalt  }
0x4e: {  	_ =	shalt  }
0x4f: {  	_ =	shalt  }
0x50: {  	_ =	shalt  }
0x51: {  	_ =	shalt  }
0x52: {  	_ =	shalt  }
0x53: {  	_ =	shalt  }
0x54: {  	_ =	shalt  }
0x55: {  	_ =	shalt  }
0x56: {  	_ =	shalt  }
0x57: {  	_ =	shalt  }
0x58: {  	_ =	shalt  }
0x59: {  	_ =	shalt  }
0x5a: {  	_ =	shalt  }
0x5b: {  	_ =	shalt  }
0x5c: {  	_ =	shalt  }
0x5d: {  	_ =	shalt  }
0x5e: {  	_ =	shalt  }
0x5f: {  	_ =	shalt  }
0x60: {  	_ =	shalt  }
0x61: {  	_ =	shalt  }
0x62: {  	_ =	shalt  }
0x63: {  	_ =	shalt  }
0x64: {  	_ =	shalt  }
0x65: {  	_ =	shalt  }
0x66: {  	_ =	shalt  }
0x67: {  	_ =	shalt  }
0x68: {  	_ =	shalt  }
0x69: {  	_ =	shalt  }
0x6a: {  	_ =	shalt  }
0x6b: {  	_ =	shalt  }
0x6c: {  	_ =	shalt  }
0x6d: {  	_ =	shalt  }
0x6e: {  	_ =	shalt  }
0x6f: {  	_ =	shalt  }
0x70: {  	_ =	shalt  }
0x71: {  	_ =	shalt  }
0x72: {  	_ =	shalt  }
0x73: {  	_ =	shalt  }
0x74: {  	_ =	shalt  }
0x75: {  	_ =	shalt  }
0x76: {  	_ =	shalt  }
0x77: {  	_ =	shalt  }
0x78: {  	_ =	shalt  }
0x79: {  	_ =	shalt  }
0x7a: {  	_ =	shalt  }
0x7b: {  	_ =	shalt  }
0x7c: {  	_ =	shalt  }
0x7d: {  	_ =	shalt  }
0x7e: {  	_ =	shalt  }
0x7f: {  	_ =	shalt  }
0x80: {  	_ =	shalt  }
0x81: {  	_ =	shalt  }
0x82: {  	_ =	shalt  }
0x83: {  	_ =	shalt  }
0x84: {  	_ =	shalt  }
0x85: {  	_ =	shalt  }
0x86: {  	_ =	shalt  }
0x87: {  	_ =	shalt  }
.Lfunc_end0:
.L_simem_size_0:
called_computation.1_lowered:
.L_overlay_start_0:
0x88: {  	s2 =	sld [smem:$0x3FD9]  }
0x89: {  	s3 =	sld [smem:$0x3FFE];
	_ =	sdelay $0x1  }
0x8a: {  	s1 =	srdreg.scid  }
0x8b: {  	s0 =	sand.u32 $0x1, s1  }
0x8c: {  	s17 =	sshll.u32 s0, $0xA;
	s2 =	sadd.s32 s3, s2  }
0x8d: {  	s2 =	sadd.s32 s2, s17  }
0x8e: {  	[smem:$0x3FC6] =	sst s2  }
0x8f: {  	_ = 	snop  }
0x90: {  	s2 =	sld [smem:$0x3FD0];
	(tm) =	ssettm $0x1  }
0x91: {  	s18 =	sld [smem:$0x3FFB];
	_ =	sdelay $0x3  }
0x92: {  	_ =	strace s18  }
0x93: {  	s3 =	sld [smem:$0x3FFC];
	_ =	sdelay $0x3  }
0x94: {  	_ =	strace s3  }
0x95: {  	s3 =	sld [smem:$0x3FFD];
	_ =	sdelay $0x3  }
0x96: {  	_ =	strace s3  }
0x97: {  	_ =	strace $0x8FFFFFFF  }
0x98: {  	s19 =	sld [smem:$0x3FDB];
	_ =	sdelay $0x1  }
0x99: {  	s4 =	simm.s32 $_scs_section_size  }
0x9a: {  	s5 =	simm.s32 $_size__tile_overlayer_lowered;
	s6 =	simm.s32 $_tile_overlayer_lowered  }
0x9b: {  	s22 =	simm.s32 $0x1BFF;
	s21 =	sshll.u32 s6, $0x1;
	s3 =	sadd.s32 s4, s19  }
0x9c: {  	s7 =	simm.s32 $0x0;
	s20 =	sshll.u32 s5, $0x1;
	s5 =	sadd.s32 s21, s3  }
0x9d: {  	[timem:s7], [sflag:s22] =	dma.local [hbm:s5], s20  }
0x9e: {  	_ =	swait.ge [sflag:s22], s20  }
0x9f: {  	s4 =	ssub.s32 $0x0, s20;
	[sflag:s22] =	ssyncset.done $0x0  }
0xa0: {  	[sflag:s22] =	ssyncadd.s32 s4;
	_ =	sdelay $0x1  }
0xa1: {  	s23 =	simm.s32 $0x1B8B  }
0xa2: {  	_ =	swait.ge [sflag:s23], $0x1  }
0xa3: {  	[sflag:s23] =	ssyncset.done $0x0  }
0xa4: {  	s25 =	simm.s32 $0x1B8E;
	s24 =	sld [smem:$0x3FFE];
	[sflag:s23] =	ssyncadd.s32 $0xFFFFFFFF  }
0xa5: {  	s26 =	simm.s32 $execute0_lowered;
	[smem:$0x3FD2] =	sst s25  }
0xa6: {  	s5 =	sshll.u32 s26, $0x1;
	_ =	strace $0x80000046;
	[dreg:$0x1] =	wrdreg $0xFFFFFFFF  }
0xa7: {  	s28 =	simm.s32 $_size_execute0_lowered;
	s3 =	sadd.s32 s3, s5;
	[dreg:$0x0] =	wrdreg $0x0  }
0xa8: {  	s5 =	sshll.u32 s28, $0x1;
	[dreg:$0x2] =	wrdreg s3  }
0xa9: {  	[dreg:$0x3] =	wrdreg s5  }
0xaa: {  	[dreg:$0x4] =	wrdreg $0xC0  }
0xab: {  	_ =	task [dreg:s7], $0x5FFFF  }
0xac: {  	[dreg:$0x1] =	wrdreg $0xFFFFFFFF  }
0xad: {  	[dreg:$0x0] =	wrdreg $0x60  }
0xae: {  	[dreg:$0x2] =	wrdreg s24  }
0xaf: {  	[dreg:$0x3] =	wrdreg s2  }
0xb0: {  	[dreg:$0x4] =	wrdreg $0x130000  }
0xb1: {  	[dreg:$0x5] =	wrdreg $0x9  }
0xb2: {  	_ =	task.clear_ibuf [dreg:s7], $0x6FFFF;
	_ =	strace $0x90000046  }
0xb3: {  	s29 =	simm.s32 $0x9;
	_ =	strace $0x80000048  }
0xb4: {  	_ =	swait.ge [sflag:s29], $0x1  }
0xb5: {  	[sflag:s29] =	ssyncadd.s32 $0xFFFFFFFF  }
0xb6: {  	_ =	strace $0x90000048  }
0xb7: {  	_ =	sfence  }
0xb8: {  	s30 =	sld [smem:$0x0];
	_ =	sdelay $0x2  }
0xb9: {  	s31 =	sshll.u32 s1, $0xD;
	s1 =	sshrl.u32 s1, $0x2  }
0xba: {  	s3 =	sand.u32 $0x4000, s31;
	s1 =	sadd.s32 s1, s30  }
0xbb: {  	s0 =	sor.u32 s3, s0;
	s1 =	sshll.u32 s1, $0x11  }
0xbc: {  	s0 =	sor.u32 s1, s0  }
0xbd: {  	s0 =	sadd.s32 $0x8F2B, s0  }
0xbe: {  	[sflag:s0] =	ssyncadd.remote.s32 $0x1  }
0xbf: {  	_ =	sfence.sel $0xFFFF  }
0xc0: {  	[dreg:$0x0] =	wrdreg $0xFFFFFFFF;
	(pc) =	sbr.abs _section_cstart, $3  }
0xc1: {  	[dreg:$0x1] =	wrdreg $0xFFFFFFFF  }
0xc2: {  	_ =	task.clear_ibuf [dreg:s7], $0x2FFFF;
	_ =	strace $0x9FFFFFFF  }
0xc3: {  	(tm) =	ssettm $0x7FFFFFFF  }
tec
execute0_lowered:
.L_overlay_start_1:
0x0: {  	(tag) =	ssettag $0x1  }
0x1: {  	s4 =	rddreg [dreg:$0x0]  }
0x2: {  	s7 =	rddreg [dreg:$0x1];
	s0 =	srdreg.scid  }
0x3: {  	s8 =	stileid.u32;
	s1 =	rddreg [dreg:$0x2];
	s2 =	simm.s32 $0x0  }
0x4: {  	s13 =	simm.s32 $0x68;
	s14 =	simm.s32 $0x8100;
	s15 =	simm.s32 $0xD0  }
0x5: {  	s16 =	simm.s32 $0x9A00;
	s17 =	simm.s32 $0x138;
	s18 =	simm.s32 $0xB300  }
0x6: {  	s19 =	simm.s32 $0x3;
	s20 =	simm.s32 $0x4;
	s21 =	simm.s32 $0x0  }
0x7: {  	s6 =	sand.u32 $0x1, s0;
	s3 =	sshll.u32 s8, $0x1;
	s0 =	rddreg [dreg:$0x3]  }
0x8: {  	[smem:$0x7FF] =	sst s2;
	s11 =	smul.u32 $0x64000, s8;
	s12 =	sadd.s32 $0x3200, s1  }
0x9: {  	p0 =	sne.s32 s8, $0x0;
	s3 =	sor.u32 s6, s3;
	s31 =	smul.u32 $0x32000, s6  }
0xa: {  	s8 =	simm.s32 $0x5;
	s5 =	ssub.s32 $0x2, s6;
	s3 =	smul.u32 $0xD00, s3  }
.Ltmp0:
0xb: {  	_ =	strace $0x80000047;
	s10 =	sshrl.u32 s5, $0x1;
	(pc) =	sbr.rel .LBB2_1-.Ltmp0, $4  }
0xc: {  	s7 =	sadd.s32 s11, s7;
	s11 =	simm.s32 $0x6800;
	s10 =	ssub.s32 s5, s10  }
0xd: {  	s7 =	sadd.s32 s31, s7;
	s9 =	sadd.s32 s3, s4;
	s3 =	sadd.s32 $0x1AC00, s4  }
0xe: {  	s4 =	sadd.s32 $0xF43000, s4;
	s6 =	smax.u32 s10, $0x1;
	s10 =	sshrl.u32 @!p0 s12, $0x3  }
0xf: {  	s12 =	simm.s32 $0x64;
	s5 =	sadd.s32 $0xC00, s9;
	s9 =	sshrl.u32 @!p0 s1, $0x3  }
.LBB2_7:
0x10: {  	s21 =	sadd.s32 $0x1, s21  }
0x11: {  	_ =	swait.ge [sflag:s19], $0x6400;
	p1 =	sne.s32 s21, s6  }
.Ltmp1:
0x12: {  	[sflag:s19] =	ssyncset.done $0x0;
	(pc) =	sbr.rel @!p1 .LBB2_8-.Ltmp1, $4  }
0x13: {  	[sflag:s19] =	ssyncadd.s32 $0xFFFF9C00  }
0x14: {  	_ =	swait.ge [sflag:s20], $0x6400  }
0x15: {  	[sflag:s20] =	ssyncset.done $0x0  }
0x16: {  	[sflag:s20] =	ssyncadd.s32 $0xFFFF9C00  }
.LBB2_1:
0x17: {  	[tilespmem:s2], [sflag:$0x5] =	stream.linear.gather [hbm4b:s5+s2], $0x6800, $0x38;
	[tilespmem:$0x13640] =	vst v63  }
0x18: {  	_ =	swait.ge [sflag:s8], $0x6800  }
0x19: {  	[sflag:s8] =	ssyncset.done $0x0  }
0x1a: {  	s22 =	simm.s32 @!p0 $0x1C05;
	s23 =	simm.s32 @!p0 $0x5;
	[sflag:s8] =	ssyncadd.s32 $0xFFFF9800  }
0x1b: {  	[spmem:s9], [sflag:s22] =	dma.local @!p0 [hbm:s3], $0x640  }
0x1c: {  	_ =	swait.ge @!p0 [sflag:s23], $0x640  }
0x1d: {  	[sflag:s23] =	ssyncset.done @!p0 $0x0  }
0x1e: {  	[sflag:s23] =	ssyncadd.s32 @!p0 $0xFFFFF9C0  }
0x1f: {  	[spmem:s10], [sflag:s22] =	dma.local @!p0 [hbm:s3], $0x640  }
0x20: {  	_ =	swait.ge @!p0 [sflag:s23], $0x640  }
0x21: {  	[sflag:s23] =	ssyncset.done @!p0 $0x0  }
0x22: {  	[sflag:s23] =	ssyncadd.s32 @!p0 $0xFFFFF9C0  }
0x23: {  	[bflag:$0x0] =	sbarrier.arrive $0xFFFF  }
0x24: {  	[tilespmem:s11], [sflag:$0x5] =	stream.linear.gather [spmem:s1], $0x6400, $0x38;
	[tilespmem:$0x13640] =	vst v63  }
0x25: {  	_ =	swait.ge [sflag:s8], $0x6400  }
0x26: {  	[sflag:s8] =	ssyncset.done $0x0  }
0x27: {  	[sflag:s8] =	ssyncadd.s32 $0xFFFF9C00  }
0x28: {  	[tilespmem:s11], [sflag:$0x1] =	stream.indirect.gather.add.f32 [hbm:s4], $0x40, s2, s12, $0xb8;
	[tilespmem:$0x13640] =	vst v63  }
0x29: {  	_ = 	snop  }
0x2a: {  	[tilespmem:s14], [sflag:$0x1] =	stream.indirect.gather.add.f32 [hbm:s4], $0x40, s13, s12, $0xb8;
	[tilespmem:$0x13640] =	vst v63  }
.Ltmp2:
0x2b: {  	_ = 	snop;
	(pc) =	sbr.rel .LBB2_2-.Ltmp2, $4  }
0x2c: {  	_ = 	snop  }
0x2d: {  	[tilespmem:s16], [sflag:$0x1] =	stream.indirect.gather.add.f32 [hbm:s4], $0x40, s15, s12, $0xb8;
	[tilespmem:$0x13640] =	vst v63  }
0x2e: {  	s24 =	simm.s32 $0x0;
	s22 =	simm.s32 $0x0;
	s23 =	smov.u32 s7  }
0x2f: {  	[tilespmem:s18], [sflag:$0x1] =	stream.indirect.gather.add.f32 [hbm:s4], $0x40, s17, s12, $0xb8;
	[tilespmem:$0x13640] =	vst v63  }
.LBB2_5:
0x30: {  	s28 =	smul.u32 $0x19000, s26;
	_ =	sdelay $0x1  }
0x31: {  	s28 =	sshrl.u32 s28, $0x2  }
0x32: {  	s29 =	sadd.s32 $0x6800, s28  }
0x33: {  	[tilespmem:s29], [sflag:$0x5] =	stream.linear.gather [spmem:s1], $0x6400, $0x38;
	[tilespmem:$0x13640] =	vst v63  }
0x34: {  	_ =	swait.ge [sflag:s8], $0x6400  }
0x35: {  	s30 =	sshra.s32 s22, $0x2;
	[sflag:s8] =	ssyncset.done $0x0  }
0x36: {  	s26 =	sadd.s32 $0x1, s26;
	s31 =	sadd.s32 $0x1A0, s30;
	[sflag:s8] =	ssyncadd.s32 $0xFFFF9C00  }
0x37: {  	[tilespmem:s29], [sflag:s26] =	stream.indirect.gather.add.f32 [hbm:s4], $0x40, s31, s12, $0xb8;
	[tilespmem:$0x13640] =	vst v63  }
0x38: {  	s29 =	sor.u32 $0x8100, s28;
	s31 =	sadd.s32 $0x208, s30  }
0x39: {  	[tilespmem:s29], [sflag:s26] =	stream.indirect.gather.add.f32 [hbm:s4], $0x40, s31, s12, $0xb8;
	[tilespmem:$0x13640] =	vst v63  }
0x3a: {  	s29 =	sadd.s32 $0x9A00, s28;
	s31 =	sadd.s32 $0x270, s30  }
0x3b: {  	[tilespmem:s29], [sflag:s26] =	stream.indirect.gather.add.f32 [hbm:s4], $0x40, s31, s12, $0xb8;
	[tilespmem:$0x13640] =	vst v63  }
0x3c: {  	s28 =	sadd.s32 $0xB300, s28;
	s31 =	sadd.s32 $0x2D8, s30  }
0x3d: {  	[tilespmem:s28], [sflag:s26] =	stream.indirect.gather.add.f32 [hbm:s4], $0x40, s31, s12, $0xb8;
	[tilespmem:$0x13640] =	vst v63  }
.LBB2_6:
0x3e: {  	s22 =	sadd.s32 $0x680, s22  }
0x3f: {  	s26 =	sadd.s32 $0x1, s25;
	s28 =	smul.u32 $0x19000, s25;
	p1 =	sne.s32 s22, $0x1A000  }
.Ltmp3:
0x40: {  	_ =	swait.ge [sflag:s26], $0x6400;
	(pc) =	sbr.rel @!p1 .LBB2_7-.Ltmp3, $4  }
0x41: {  	[sflag:s26] =	ssyncset.done $0x0;
	s28 =	sshrl.u32 s28, $0x2  }
0x42: {  	s30 =	sadd.s32 $0x3, s25;
	[sflag:s26] =	ssyncadd.s32 $0xFFFF9C00;
	s31 =	sadd.s32 $0x6800, s28  }
0x43: {  	[hbm4b:s23+s2] =	stream.linear.scatter [tilespmem:s31], [sflag:s30], $0x6400, $0x38;
	[tilespmem:$0x13640] =	vst v63  }
0x44: {  	s24 =	sadd.s32 $0x1, s24;
	s23 =	sadd.s32 $0xC80, s23  }
.LBB2_2:
0x45: {  	p1 =	seq.s32 s24, $0x0  }
.Ltmp4:
0x46: {  	_ = 	snop;
	(pc) =	sbr.rel @p1 .LBB2_5-.Ltmp4, $3  }
0x47: {  	_ =	sdelay $0x1  }
0x48: {  	s25 =	sand.u32 $0x1, s24  }
0x49: {  	s26 =	sxor.u32 $0x1, s25  }
0x4a: {  	p1 =	seq.s32 s24, $0x3F  }
.Ltmp5:
0x4b: {  	_ = 	snop;
	(pc) =	sbr.rel @p1 .LBB2_6-.Ltmp5, $1  }
0x4c: {  	_ =	sdelay $0x3  }
.Ltmp6:
0x4d: {  	(pc) =	sbr.rel .LBB2_5-.Ltmp6, $4  }
0x4e: {  	s28 =	sadd.s32 $0x3, s26  }
0x4f: {  	_ =	swait.ge [sflag:s28], $0x6400  }
0x50: {  	[sflag:s28] =	ssyncset.done $0x0  }
0x51: {  	[sflag:s28] =	ssyncadd.s32 $0xFFFF9C00  }
.LBB2_8:
0x52: {  	_ =	sfence.sel $0x180000  }
0x53: {  	[bflag:$0x0] =	sbarrier.arrive $0xFFFF  }
0x54: {  	_ =	strace $0x90000047  }
0x55: {  	s0 =	sadd.s32 @!p0 $0x100000, s0;
	[bflag:$0x2] =	sbarrier.arrive $0xFFFF  }
0x56: {  	[sflag:s0] =	ssyncadd.tile.s32 @!p0 $0x1;
	_ =	shalt  }
.Lfunc_end2:
_tile_overlayer_lowered:
.L_overlay_start_2:
0x57: {  	(tag) =	ssettag $0x2  }
0x58: {  	s0 =	rddreg [dreg:$0x0];
	s2 =	stileid.u32  }
0x59: {  	s1 =	rddreg [dreg:$0x1];
	p0 =	sne.s32 s2, $0x0  }
0x5a: {  	s3 =	rddreg [dreg:$0x2];
	[bflag:$0x3] =	sbarrier.arrive $0xFFFF;
	s2 =	simm.s32 @!p0 $0x1C05  }
0x5b: {  	[timem:s3], [sflag:s2] =	dma.local @!p0 [hbm:s0], s1  }
0x5c: {  	s0 =	simm.s32 @!p0 $0x5  }
0x5d: {  	_ =	swait.ge @!p0 [sflag:s0], s1  }
0x5e: {  	s1 =	ssub.s32 @!p0 $0x0, s1;
	[sflag:s0] =	ssyncset.done @!p0 $0x0  }
0x5f: {  	[sflag:s0] =	ssyncadd.s32 @!p0 s1  }
0x60: {  	[bflag:$0x3] =	sbarrier.arrive $0xFFFF  }
0x61: {  	_ =	shalt  }

// kernel: sparse-core-data-format-call.cloned.1.call-start
scs
called_computation_lowered:
.L_overlay_start_0:
0x0: {  	s2 =	sld [smem:$0x3FD9]  }
0x1: {  	s3 =	sld [smem:$0x3FFE];
	_ =	sdelay $0x1  }
0x2: {  	s1 =	srdreg.scid  }
0x3: {  	s0 =	sand.u32 $0x1, s1  }
0x4: {  	s18 =	sshll.u32 s0, $0xA;
	s2 =	sadd.s32 s3, s2  }
0x5: {  	s2 =	sadd.s32 s2, s18  }
0x6: {  	[smem:$0x3FC6] =	sst s2  }
0x7: {  	_ = 	snop  }
0x8: {  	s2 =	sld [smem:$0x3FD0];
	(tm) =	ssettm $0x1  }
0x9: {  	s19 =	sld [smem:$0x3FFB];
	_ =	sdelay $0x3  }
0xa: {  	_ =	strace s19  }
0xb: {  	s3 =	sld [smem:$0x3FFC];
	_ =	sdelay $0x3  }
0xc: {  	_ =	strace s3  }
0xd: {  	s3 =	sld [smem:$0x3FFD];
	_ =	sdelay $0x3  }
0xe: {  	_ =	strace s3  }
0xf: {  	_ =	strace $0x8FFFFFFF  }
0x10: {  	s20 =	sld [smem:$0x3FDB];
	_ =	sdelay $0x1  }
0x11: {  	s4 =	simm.s32 $_scs_section_size  }
0x12: {  	s5 =	simm.s32 $_size__tile_overlayer_lowered;
	s6 =	simm.s32 $_tile_overlayer_lowered  }
0x13: {  	s23 =	simm.s32 $0x1BFF;
	s22 =	sshll.u32 s6, $0x1;
	s3 =	sadd.s32 s4, s20  }
0x14: {  	s7 =	simm.s32 $0x0;
	s21 =	sshll.u32 s5, $0x1;
	s5 =	sadd.s32 s22, s3  }
0x15: {  	[timem:s7], [sflag:s23] =	dma.local [hbm:s5], s21  }
0x16: {  	_ =	swait.ge [sflag:s23], s21  }
0x17: {  	s4 =	ssub.s32 $0x0, s21;
	[sflag:s23] =	ssyncset.done $0x0  }
0x18: {  	[sflag:s23] =	ssyncadd.s32 s4;
	_ =	sdelay $0x1  }
0x19: {  	s24 =	simm.s32 $0x1B8B  }
0x1a: {  	_ =	swait.ge [sflag:s24], $0x1  }
0x1b: {  	[sflag:s24] =	ssyncset.done $0x0  }
0x1c: {  	s26 =	simm.s32 $0x1B8E;
	s25 =	sld [smem:$0x3FFE];
	[sflag:s24] =	ssyncadd.s32 $0xFFFFFFFF  }
0x1d: {  	s27 =	simm.s32 $execute0_lowered;
	[smem:$0x3FD2] =	sst s26  }
0x1e: {  	s5 =	sshll.u32 s27, $0x1;
	_ =	strace $0x80000049;
	[dreg:$0x1] =	wrdreg $0xFFFFFFFF  }
0x1f: {  	s28 =	simm.s32 $_size_execute0_lowered;
	s3 =	sadd.s32 s3, s5;
	[dreg:$0x0] =	wrdreg $0x0  }
0x20: {  	s5 =	sshll.u32 s28, $0x1;
	[dreg:$0x2] =	wrdreg s3  }
0x21: {  	[dreg:$0x3] =	wrdreg s5  }
0x22: {  	[dreg:$0x4] =	wrdreg $0xC0  }
0x23: {  	_ =	task [dreg:s7], $0x5FFFF  }
0x24: {  	[dreg:$0x1] =	wrdreg $0xFFFFFFFF  }
0x25: {  	[dreg:$0x0] =	wrdreg $0x60  }
0x26: {  	[dreg:$0x2] =	wrdreg s25  }
0x27: {  	[dreg:$0x3] =	wrdreg s2  }
0x28: {  	[dreg:$0x4] =	wrdreg $0x9  }
0x29: {  	_ =	task.clear_ibuf [dreg:s7], $0x5FFFF;
	_ =	strace $0x90000049  }
0x2a: {  	s29 =	simm.s32 $0x9;
	_ =	strace $0x8000004B  }
0x2b: {  	_ =	swait.ge [sflag:s29], $0x1  }
0x2c: {  	[sflag:s29] =	ssyncadd.s32 $0xFFFFFFFF  }
0x2d: {  	_ =	strace $0x9000004B  }
0x2e: {  	_ =	sfence  }
0x2f: {  	s30 =	sld [smem:$0x0];
	_ =	sdelay $0x2  }
0x30: {  	s31 =	sshll.u32 s1, $0xD;
	s1 =	sshrl.u32 s1, $0x2  }
0x31: {  	s3 =	sand.u32 $0x4000, s31;
	s1 =	sadd.s32 s1, s30  }
0x32: {  	s0 =	sor.u32 s3, s0;
	s1 =	sshll.u32 s1, $0x11  }
0x33: {  	s0 =	sor.u32 s1, s0  }
0x34: {  	s0 =	sadd.s32 $0x8F2B, s0  }
0x35: {  	[sflag:s0] =	ssyncadd.remote.s32 $0x1  }
0x36: {  	_ =	sfence.sel $0xFFFF  }
0x37: {  	[dreg:$0x0] =	wrdreg $0xFFFFFFFF;
	(pc) =	sbr.abs _section_cstart, $3  }
0x38: {  	[dreg:$0x1] =	wrdreg $0xFFFFFFFF  }
0x39: {  	_ =	task.clear_ibuf [dreg:s7], $0x2FFFF;
	_ =	strace $0x9FFFFFFF  }
0x3a: {  	(tm) =	ssettm $0x7FFFFFFF  }
0x3b: {  	_ =	shalt  }
tec
execute0_lowered:
.L_overlay_start_1:
0x0: {  	(tag) =	ssettag $0x1  }
0x1: {  	s0 =	srdreg.scid  }
0x2: {  	s1 =	sshll.u32 s0, $0x4  }
0x3: {  	s0 =	stileid.u32;
	s1 =	sand.u32 $0x10, s1  }
0x4: {  	s1 =	sor.u32 s0, s1  }
0x5: {  	s6 =	rddreg [dreg:$0x0];
	s4 =	simm.s32 $0x1;
	s2 =	sshll.u32 s1, $0x7  }
0x6: {  	s7 =	simm.s32 $0x2;
	s12 =	simm.s32 $0x0;
	s1 =	ssub.s32 $0x1000, s2  }
0x7: {  	s8 =	simm.s32 $0x8000;
	s13 =	simm.s32 $0x0;
	s3 =	sand.u32 $0xF80, s1  }
0x8: {  	s9 =	simm.s32 $0x0;
	s5 =	sshrl.u32 s1, $0xC;
	p0 =	sne.s32 s3, $0x0  }
.Ltmp0:
0x9: {  	s1 =	rddreg [dreg:$0x2];
	s4 =	simm.s32 @!p0 $0x0;
	(pc) =	sbr.rel .LBB1_1-.Ltmp0, $4  }
0xa: {  	s11 =	simm.s32 $0x0;
	s3 =	rddreg [dreg:$0x1];
	s5 =	sadd.s32 s4, s5  }
0xb: {  	_ =	strace $0x8000004A;
	s4 =	simm.s32 $0x1;
	s5 =	smul.u32 $0xC8, s5  }
0xc: {  	s6 =	sadd.s32 $0xC00, s6;
	s10 =	smov.u32 s2;
	[sflag:s4] =	ssyncpa.u1 $0x0  }
0xd: {  	p0 =	por $0x0, $0x0;
	[sflag:s7] =	ssyncpa.u1 $0x0;
	s7 =	sor.u32 $0x1, s5  }
.LBB1_4:
0xe: {  	s16 =	sshll.u32 s13, $0x3;
	s17 =	sand.u32 $0x78, s13  }
0xf: {  	s30 =	sand.u32 $0x7E00, s13;
	s12 =	sshll.u32 s12, $0xF;
	s16 =	sand.u32 $0xC00, s16  }
0x10: {  	[tilespmem:s15+$0x810 ss:$0x81] =	vst.msk $0xffff, v2;
	s31 =	sand.u32 $0x7, s13;
	s16 =	sor.u32 s17, s16;
	s17 =	sadd.s32 s3, s30  }
0x11: {  	[tilespmem:s15+$0x1020 ss:$0x81] =	vst.msk $0xffff, v0;
	s13 =	sshll.u32 s31, $0x12;
	s12 =	sadd.s32 s12, s17;
	s16 =	sshrl.u32 s16, $0x3  }
0x12: {  	[tilespmem:s15+$0x0 ss:$0x81] =	vst.msk $0xffff, v1;
	s13 =	sor.u32 $0x400, s13;
	s12 =	sadd.s32 s16, s12  }
0x13: {  	[hbm4b:s12+s13] =	stream.strided.scatter [tilespmem:s14], [sflag:$0x2], $0x2000, s8, s13, $0x20;
	[tilespmem:$0x8080] =	vst v63  }
.LBB1_5:
0x14: {  	s14 =	sadd.s32 $0x1, s9  }
0x15: {  	s12 =	sadd.s32 $0x1000, s10;
	s16 =	smov.u32 s10;
	p2 =	sgt.s32 s14, $0xC7  }
0x16: {  	s16 =	smov.u32 @p2 s12  }
0x17: {  	s14 =	simm.s32 @p2 $0x0;
	p2 =	sgt.s32 s16, $0xFFF  }
0x18: {  	s16 =	smov.u32 @p2 s2;
	p2 =	sne.s32 s11, s7  }
.Ltmp1:
0x19: {  	p1 =	slt.u32 s11, $0x2;
	(pc) =	sbr.rel @!p2 .LBB1_6-.Ltmp1, $4  }
0x1a: {  	s15 =	simm.s32 @!p1 $0x2  }
0x1b: {  	s13 =	smov.u32 s10;
	p0 =	por !p0, !p0;
	_ =	swait.ge @!p1 [sflag:s15], $0x2000  }
0x1c: {  	s12 =	smov.u32 s9;
	[sflag:s15] =	ssyncset.done @!p1 $0x0;
	s9 =	smov.u32 s14  }
0x1d: {  	s11 =	sadd.s32 $0x1, s11;
	[sflag:s15] =	ssyncadd.s32 @!p1 $0xFFFFE000;
	s10 =	smov.u32 s16  }
.LBB1_1:
0x1e: {  	p1 =	sge.u32 s11, s5  }
0x1f: {  	s14 =	sand.u32 @!p1 $0x1FFFFFF, s9  }
0x20: {  	s15 =	smulhi.u32 @!p1 $0x147AE15, s14;
	_ =	sdelay $0x1  }
0x21: {  	s15 =	smul.u32 @!p1 $0xC8, s15  }
0x22: {  	s16 =	sxor.u32 @!p1 $0xFFFFFFFF, s11;
	s17 =	smul.u32 @!p1 $0xC80, s10  }
0x23: {  	s31 =	sadd.s32 $0xFFFFFFFF, s11;
	s16 =	sshll.u32 @!p1 s16, $0xD;
	s14 =	ssub.s32 @!p1 s14, s15  }
0x24: {  	s15 =	sand.u32 @!p1 $0x2000, s16;
	s16 =	sadd.s32 @!p1 s6, s17;
	s14 =	sshll.u32 @!p1 s14, $0x4  }
0x25: {  	s17 =	simm.s32 @!p1 $0x6400;
	s14 =	sadd.s32 @!p1 s14, s16;
	s16 =	simm.s32 @!p1 $0x40  }
0x26: {  	[tilespmem:s15], [sflag:$0x1] =	stream.strided.gather @!p1 [hbm4b:s14+s16], $0x2000, s17, s16, $0x38;
	[tilespmem:$0x8080] =	vst v63  }
0x27: {  	p1 =	sge.u32 s31, s5  }
.Ltmp2:
0x28: {  	_ = 	snop;
	(pc) =	sbr.rel @p1 .LBB1_5-.Ltmp2, $1  }
0x29: {  	_ =	sdelay $0x3  }
0x2a: {  	s14 =	simm.s32 $0x1  }
0x2b: {  	_ =	swait.ge [sflag:s4], $0x2000;
	s14 =	simm.s32 @!p0 $0x0  }
0x2c: {  	[sflag:s4] =	ssyncset.done $0x0;
	s15 =	sshll.u32 s14, $0xD  }
0x2d: {  	[sflag:s4] =	ssyncadd.s32 $0xFFFFE000;
	s18 =	sor.u32 $0x20, s15  }
0x2e: {  	s14 =	smul.u32 $0x8100, s14;
	v3 =	vld [tilespmem:s18+$0x10]  }
0x2f: {  	s30 =	sand.u32 $0x1, s11;
	v2 =	vld [tilespmem:s18+$0xFFFFFFF0]  }
0x30: {  	s15 =	smul.u32 $0x8100, s30;
	s14 =	sshrl.u32 s14, $0x2;
	v0 =	vld [tilespmem:s18+$0x0]  }
0x31: {  	v1 =	vld [tilespmem:s18+$0xFFFFFFE0];
	s16 =	sor.u32 $0x4000, s14  }
0x32: {  	s31 =	sshrl.u32 s15, $0x2;
	s15 =	sadd.s32 $0x0, s16  }
0x33: {  	s17 =	simm.s32 $0x4;
	s18 =	sadd.s32 $0x40, s18;
	s14 =	sor.u32 $0x4000, s31;
	[tilespmem:s15+$0x1830 ss:$0x81] =	vst.msk $0xffff, v3  }
.LBB1_3:
0x34: {  	v3 =	vld [tilespmem:s18+$0x10];
	p1 =	sne.s32 s17, $0x1FC;
	[tilespmem:s15+$0x810 ss:$0x81] =	vst.msk $0xffff, v2;
	s19 =	smov.u32 s17;
	s17 =	sadd.s32 $0x4, s17  }
.Ltmp3:
0x35: {  	v2 =	vld [tilespmem:s18+$0xFFFFFFF0];
	[tilespmem:s15+$0x1020 ss:$0x81] =	vst.msk $0xffff, v0;
	(pc) =	sbr.rel @p1 .LBB1_3-.Ltmp3, $4  }
0x36: {  	v0 =	vld [tilespmem:s18+$0x0];
	[tilespmem:s15+$0x0 ss:$0x81] =	vst.msk $0xffff, v1  }
0x37: {  	s15 =	sshra.s32 s19, $0x2;
	v1 =	vld [tilespmem:s18+$0xFFFFFFE0]  }
0x38: {  	s15 =	sadd.s32 s15, s16  }
0x39: {  	s18 =	sadd.s32 $0x40, s18;
	[tilespmem:s15+$0x1830 ss:$0x81] =	vst.msk $0xffff, v3  }
.Ltmp4:
0x3a: {  	_ = 	snop;
	(pc) =	sbr.rel .LBB1_4-.Ltmp4, $1  }
0x3b: {  	_ =	sdelay $0x3  }
.LBB1_6:
0x3c: {  	_ =	sfence.sel $0x180000  }
0x3d: {  	s2 =	simm.s32 $0x1;
	[bflag:$0x0] =	sbarrier.arrive $0xFFFF  }
0x3e: {  	s31 =	simm.s32 $0x2;
	[sflag:s2] =	ssyncpa.u1 $0x1  }
0x3f: {  	[sflag:s31] =	ssyncpa.u1 $0x1  }
0x40: {  	p0 =	sne.s32 s0, $0x0;
	_ =	strace $0x9000004A  }
0x41: {  	s0 =	sadd.s32 @!p0 $0x100000, s1;
	[bflag:$0x2] =	sbarrier.arrive $0xFFFF  }
0x42: {  	[sflag:s0] =	ssyncadd.tile.s32 @!p0 $0x1;
	_ =	shalt  }
.Lfunc_end1:
_tile_overlayer_lowered:
.L_overlay_start_2:
0x43: {  	(tag) =	ssettag $0x2  }
0x44: {  	s0 =	rddreg [dreg:$0x0];
	s2 =	stileid.u32  }
0x45: {  	s1 =	rddreg [dreg:$0x1];
	p0 =	sne.s32 s2, $0x0  }
0x46: {  	s3 =	rddreg [dreg:$0x2];
	[bflag:$0x3] =	sbarrier.arrive $0xFFFF;
	s2 =	simm.s32 @!p0 $0x1C01  }
0x47: {  	[timem:s3], [sflag:s2] =	dma.local @!p0 [hbm:s0], s1  }
0x48: {  	s0 =	simm.s32 @!p0 $0x1  }
0x49: {  	_ =	swait.ge @!p0 [sflag:s0], s1  }
0x4a: {  	s1 =	ssub.s32 @!p0 $0x0, s1;
	[sflag:s0] =	ssyncset.done @!p0 $0x0  }
0x4b: {  	[sflag:s0] =	ssyncadd.s32 @!p0 s1  }
0x4c: {  	[bflag:$0x3] =	sbarrier.arrive $0xFFFF  }
0x4d: {  	_ =	shalt  }

</sc_bundles>
